<compile_context>
chip_gen: v7x
topology: tpu7x:2x2x1
jax: 0.10.2.dev20260603
libtpu: 0.0.44.dev20260713+nightly
codegen_flags: <defaults>
</compile_context>

<pallas_src>
import jax
import jax.numpy as jnp
from jax import lax
from jax.experimental import pallas as pl
from jax.experimental.pallas import tpu as pltpu
from jax.experimental.pallas import tpu_sc as plsc

_EMBED = 32
_MAXLEN = 200
_NC = 2
_NS = 16
_NW = _NC * _NS
_CH = 128
_NBUF = 6
_DEPTH = 4


_VOCAB = 1000000
_NBLK = _VOCAB // 128
_TAIL = _VOCAB - _NBLK * 128


def _transpose_body(tokT_hbm, tail_hbm, out_hbm, tbuf, obuf, tailv, sem, osem):
    wid = lax.axis_index("s") * _NC + lax.axis_index("c")
    per_w = _NBLK // _NW
    extra = _NBLK - per_w * _NW
    start = wid * per_w + lax.min(wid, extra)
    count = per_w + jnp.where(wid < extra, 1, 0)

    ci = lax.iota(jnp.int32, 16)
    cb_lo, s_lo = ci >> 3, ci & 7
    cb_hi, s_hi = (ci + 16) >> 3, (ci + 16) & 7

    def fire(b, p):
        for cb in range(4):
            pltpu.async_copy(
                tokT_hbm.at[pl.ds(cb * 8, 8), pl.ds(b * 128, 128)],
                tbuf.at[p, cb, pl.ds(0, 8), pl.ds(0, 128)], sem)

    fire(start, 0)

    def blk(i, carry):
        p = lax.rem(i, 2)

        @pl.when(i + 1 < count)
        def _():
            fire(start + i + 1, lax.rem(i + 1, 2))

        for cb in range(4):
            pltpu.make_async_copy(
                tokT_hbm.at[pl.ds(0, 8), pl.ds(0, 128)],
                tbuf.at[0, cb, pl.ds(0, 8), pl.ds(0, 128)], sem).wait()

        @pl.when(i >= 2)
        def _():
            pltpu.make_async_copy(obuf.at[0],
                                  out_hbm.at[pl.ds(0, 4096)], osem).wait()

        def turn(pp):
            @plsc.parallel_loop(0, 128, 1, unroll=8)
            def _tok(t):
                tv = jnp.full((16,), 0, jnp.int32) + t
                v0 = plsc.load_gather(tbuf.at[pp], [cb_lo, s_lo, tv])
                v1 = plsc.load_gather(tbuf.at[pp], [cb_hi, s_hi, tv])
                obuf[pp, pl.ds(t * _EMBED, 16)] = v0
                obuf[pp, pl.ds(t * _EMBED + 16, 16)] = v1

        @pl.when(p == 0)
        def _():
            turn(0)

        @pl.when(p == 1)
        def _():
            turn(1)

        pltpu.async_copy(obuf.at[p],
                         out_hbm.at[pl.ds((start + i) * 4096, 4096)], osem)
        return carry

    lax.fori_loop(0, count, blk, 0)

    pltpu.make_async_copy(obuf.at[0], out_hbm.at[pl.ds(0, 4096)], osem).wait()
    pltpu.make_async_copy(obuf.at[0], out_hbm.at[pl.ds(0, 4096)], osem).wait()

    @pl.when(wid == 0)
    def _():
        pltpu.sync_copy(tail_hbm, tailv)
        pltpu.sync_copy(tailv, out_hbm.at[pl.ds(_NBLK * 128 * _EMBED,
                                                _TAIL * _EMBED)])


def _gather_body(x_hbm, tok_hbm, pos_hbm, out_hbm, idx_v, pos2_v, buf,
                 gsem, osem):
    n_chunks_total = x_hbm.shape[0]
    nch = n_chunks_total // _NW
    rpw = nch * _CH
    wid = lax.axis_index("s") * _NC + lax.axis_index("c")
    wbase = wid * rpw

    pltpu.sync_copy(x_hbm.at[pl.ds(wid * nch, nch)], idx_v)
    pltpu.sync_copy(pos_hbm, pos2_v.at[pl.ds(0, _MAXLEN)])
    pltpu.sync_copy(pos_hbm, pos2_v.at[pl.ds(_MAXLEN, _MAXLEN)])

    for p in range(_DEPTH):
        pltpu.async_copy(tok_hbm.at[idx_v.at[p]], buf.at[p], gsem)

    def chunk_body(j, carry):
        b = lax.rem(j, _NBUF)
        pltpu.make_async_copy(tok_hbm.at[idx_v.at[0]], buf.at[0], gsem).wait()

        poff = lax.rem(j * _CH, _MAXLEN)

        def row_body(r, c):
            plsc.addupdate(buf.at[b, r, pl.ds(0, 16)],
                           pos2_v[poff + r, pl.ds(0, 16)])
            plsc.addupdate(buf.at[b, r, pl.ds(16, 16)],
                           pos2_v[poff + r, pl.ds(16, 16)])
            return c

        lax.fori_loop(0, _CH, row_body, 0, unroll=4)

        pltpu.async_copy(buf.at[b], out_hbm.at[pl.ds(wbase + j * _CH, _CH)],
                         osem)

        @pl.when(j >= _NBUF - _DEPTH)
        def _():
            pltpu.make_async_copy(buf.at[0], out_hbm.at[pl.ds(wbase, _CH)],
                                  osem).wait()

        @pl.when(j + _DEPTH < nch)
        def _():
            pltpu.async_copy(tok_hbm.at[idx_v.at[j + _DEPTH]],
                             buf.at[lax.rem(j + _DEPTH, _NBUF)], gsem)

        return carry

    lax.fori_loop(0, nch, chunk_body, 0)

    pltpu.make_async_copy(buf.at[0], out_hbm.at[pl.ds(wbase, _CH)], osem).wait()
    pltpu.make_async_copy(buf.at[0], out_hbm.at[pl.ds(wbase, _CH)], osem).wait()


@jax.jit
def _sc_embed(x, token_table, pos_table):
    batch, maxlen = x.shape
    mesh = plsc.VectorSubcoreMesh(core_axis_name="c", subcore_axis_name="s")

    tokT = token_table.T
    tail = token_table[_NBLK * 128:].reshape(-1)

    relaid = pl.kernel(
        _transpose_body,
        out_type=jax.ShapeDtypeStruct((_VOCAB * _EMBED,), jnp.float32),
        mesh=mesh,
        scratch_types=[
            pltpu.VMEM((2, 4, 8, 129), jnp.float32),
            pltpu.VMEM((2, 4096), jnp.float32),
            pltpu.VMEM((_TAIL * _EMBED,), jnp.float32),
            pltpu.SemaphoreType.DMA,
            pltpu.SemaphoreType.DMA,
        ],
        compiler_params=pltpu.CompilerParams(use_tc_tiling_on_sc=True,
                                             needs_layout_passes=False),
    )(tokT, tail)

    tok_lin = relaid.reshape(_VOCAB, _EMBED)
    x_idx = x.astype(jnp.int32).reshape(batch * maxlen // _CH, _CH)
    nch = x_idx.shape[0] // _NW

    out = pl.kernel(
        _gather_body,
        out_type=jax.ShapeDtypeStruct((batch * maxlen, _EMBED), jnp.float32),
        mesh=mesh,
        scratch_types=[
            pltpu.VMEM((nch, _CH), jnp.int32),
            pltpu.VMEM((2 * _MAXLEN, _EMBED), jnp.float32),
            pltpu.VMEM((_NBUF, _CH, _EMBED), jnp.float32),
            pltpu.SemaphoreType.DMA,
            pltpu.SemaphoreType.DMA,
        ],
        compiler_params=pltpu.CompilerParams(use_tc_tiling_on_sc=False),
    )(x_idx, tok_lin, pos_table)
    return out.reshape(batch, maxlen, _EMBED)


def kernel(x, token_table, pos_table):
    return _sc_embed(x, token_table, pos_table)

# --- scband reference (transcript-rebuilt; emitter-appended) ---
"""Pipeline reference for scband-token-and-position-embedding-43336220016894 (READ-ONLY COPY).

The authoritative reference and input builder live on the scoring server;
editing this copy changes nothing except your own understanding.
"""

import jax, jax.numpy as jnp
import numpy as np

VOCAB = 1000000
MAXLEN = 200
EMBED = 32
BATCH = 1024

def setup_inputs(seed: int = 0) -> dict:
    key = jax.random.key(seed)
    k1, k2, k3 = jax.random.split(key, 3)
    x = jax.random.randint(k1, (BATCH, MAXLEN), 0, VOCAB, dtype=jnp.int64 if jax.config.jax_enable_x64 else jnp.int32)
    token_table = jax.random.normal(k2, (VOCAB, EMBED), dtype=jnp.float32) * 0.02
    pos_table = jax.random.normal(k3, (MAXLEN, EMBED), dtype=jnp.float32) * 0.02
    return {"x": x, "token_table": token_table, "pos_table": pos_table}

def reference(x, token_table, pos_table):
    maxlen = x.shape[-1]
    positions = jnp.arange(0, maxlen)
    pos = jnp.take(pos_table, positions, axis=0)
    tok = jnp.take(token_table, x, axis=0)
    return tok + pos

if __name__ == "__main__":
    import jax
    _d = setup_inputs()
    print(jax.jit(kernel)(*tuple(_d.values())))

</pallas_src>

<mosaic_0001>
#map = affine_map<(d0, d1) -> (0, 0)>
#map1 = affine_map<(d0, d1) -> (0)>
module attributes {stable_mosaic.version = 14 : i64} {
  func.func @_transpose_body(%arg0: i32, %arg1: i32, %arg2: memref<32x1000000xf32, #tpu.memory_space<hbm>>, %arg3: memref<2048xf32, #tpu.memory_space<hbm>>, %arg4: memref<32000000xf32, #tpu.memory_space<hbm>>, %arg5: memref<2x4x8x129xf32, #tpu.memory_space<vmem>>, %arg6: memref<2x4096xf32, #tpu.memory_space<vmem>>, %arg7: memref<2048xf32, #tpu.memory_space<vmem>>, %arg8: memref<!tpu.dma_semaphore, #tpu.memory_space<semaphore_mem>>, %arg9: memref<!tpu.dma_semaphore, #tpu.memory_space<semaphore_mem>>) attributes {dimension_semantics = [#tpu.dimension_semantics<core_parallel>, #tpu.dimension_semantics<subcore_parallel>], iteration_bounds = array<i64: 2, 16>, scalar_prefetch = 0 : i64, scratch_operands = 5 : i64, tpu.core_type = #tpu.core_type<sc_vector_subcore>, window_params = [{transform_indices = #map}, {transform_indices = #map1}, {transform_indices = #map1}]} {
    %mul3A = arith.constant 2 : i32
    %mul3A_0 = arith.muli %arg1, %mul3A : i32
    %add3A = arith.addi %mul3A_0, %arg0 : i32
    %mul3A_1 = arith.constant 244 : i32
    %mul3A_2 = arith.muli %add3A, %mul3A_1 : i32
    %min3A = arith.constant 4 : i32
    %min3A_3 = arith.minsi %add3A, %min3A : i32
    %add3A_4 = arith.addi %mul3A_2, %min3A_3 : i32
    %lt3A = arith.constant 4 : i32
    %lt3A_5 = arith.cmpi slt, %add3A, %lt3A : i32
    %jit3A = arith.constant 1 : i32
    %jit3A_6 = arith.constant 0 : i32
    %select_n3A = arith.select %lt3A_5, %jit3A, %jit3A_6 : i32
    %add3A_7 = arith.constant 244 : i32
    %add3A_8 = arith.addi %add3A_7, %select_n3A : i32
    %iota3A = tpu.iota {dimensions = array<i32: 0>} : vector<16xi32>
    %shift_right_arithmetic3A = arith.constant 3 : i32
    %shift_right_arithmetic3A_9 = vector.broadcast %shift_right_arithmetic3A : i32 to vector<16xi32>
    %shift_right_arithmetic3A_10 = arith.shrsi %iota3A, %shift_right_arithmetic3A_9 : vector<16xi32>
    %and3A = arith.constant 7 : i32
    %and3A_11 = vector.broadcast %and3A : i32 to vector<16xi32>
    %and3A_12 = arith.andi %iota3A, %and3A_11 : vector<16xi32>
    %add3A_13 = arith.constant 16 : i32
    %add3A_14 = vector.broadcast %add3A_13 : i32 to vector<16xi32>
    %add3A_15 = arith.addi %iota3A, %add3A_14 : vector<16xi32>
    %shift_right_arithmetic3A_16 = arith.constant 3 : i32
    %shift_right_arithmetic3A_17 = vector.broadcast %shift_right_arithmetic3A_16 : i32 to vector<16xi32>
    %shift_right_arithmetic3A_18 = arith.shrsi %add3A_15, %shift_right_arithmetic3A_17 : vector<16xi32>
    %add3A_19 = arith.constant 16 : i32
    %add3A_20 = vector.broadcast %add3A_19 : i32 to vector<16xi32>
    %add3A_21 = arith.addi %iota3A, %add3A_20 : vector<16xi32>
    %and3A_22 = arith.constant 7 : i32
    %and3A_23 = vector.broadcast %and3A_22 : i32 to vector<16xi32>
    %and3A_24 = arith.andi %add3A_21, %and3A_23 : vector<16xi32>
    %mul3A_25 = arith.constant 128 : i32
    %mul3A_26 = arith.muli %add3A_4, %mul3A_25 : i32
    %dma_start3A = arith.constant 0 : i32
    %dma_start3A_27 = arith.constant 0 : i32
    %dma_start3A_28 = arith.constant 0 : i32
    %dma_start3A_29 = arith.constant 0 : i32
    %dma_start3A_30 = tpu.memref_slice %arg5[%dma_start3A, %dma_start3A_27, %dma_start3A_28, %dma_start3A_29] : memref<2x4x8x129xf32, #tpu.memory_space<vmem>> -> memref<1x1x8x128xf32, #tpu.memory_space<vmem>>
    %dma_start3A_31 = tpu.memref_squeeze %dma_start3A_30 : memref<1x1x8x128xf32, #tpu.memory_space<vmem>> -> memref<8x128xf32, #tpu.memory_space<vmem>>
    %dma_start3A_32 = arith.constant 0 : i32
    %dma_start3A_33 = tpu.memref_slice %arg2[%dma_start3A_32, %mul3A_26] : memref<32x1000000xf32, #tpu.memory_space<hbm>> -> memref<8x128xf32, #tpu.memory_space<hbm>>
    %dma_start3A_34 = arith.constant 0 : i32
    %dma_start3A_35 = arith.constant 0 : i32
    %dma_start3A_36 = tpu.memref_slice %arg5[%dma_start3A, %dma_start3A_27, %dma_start3A_34, %dma_start3A_35] : memref<2x4x8x129xf32, #tpu.memory_space<vmem>> -> memref<1x1x8x128xf32, #tpu.memory_space<vmem>>
    %dma_start3A_37 = tpu.memref_squeeze %dma_start3A_36 : memref<1x1x8x128xf32, #tpu.memory_space<vmem>> -> memref<8x128xf32, #tpu.memory_space<vmem>>
    %dma_start3A_38 = arith.constant 0 : i32
    %dma_start3A_39 = tpu.memref_slice %arg2[%dma_start3A_38, %mul3A_26] : memref<32x1000000xf32, #tpu.memory_space<hbm>> -> memref<8x128xf32, #tpu.memory_space<hbm>>
    tpu.enqueue_dma source(%dma_start3A_39 : memref<8x128xf32, #tpu.memory_space<hbm>>) target(%dma_start3A_37 : memref<8x128xf32, #tpu.memory_space<vmem>>) target_semaphore(%arg8 : memref<!tpu.dma_semaphore, #tpu.memory_space<semaphore_mem>>)
    %mul3A_40 = arith.constant 128 : i32
    %mul3A_41 = arith.muli %add3A_4, %mul3A_40 : i32
    %dma_start3A_42 = arith.constant 0 : i32
    %dma_start3A_43 = arith.constant 1 : i32
    %dma_start3A_44 = arith.constant 0 : i32
    %dma_start3A_45 = arith.constant 0 : i32
    %dma_start3A_46 = tpu.memref_slice %arg5[%dma_start3A_42, %dma_start3A_43, %dma_start3A_44, %dma_start3A_45] : memref<2x4x8x129xf32, #tpu.memory_space<vmem>> -> memref<1x1x8x128xf32, #tpu.memory_space<vmem>>
    %dma_start3A_47 = tpu.memref_squeeze %dma_start3A_46 : memref<1x1x8x128xf32, #tpu.memory_space<vmem>> -> memref<8x128xf32, #tpu.memory_space<vmem>>
    %dma_start3A_48 = arith.constant 8 : i32
    %dma_start3A_49 = tpu.memref_slice %arg2[%dma_start3A_48, %mul3A_41] : memref<32x1000000xf32, #tpu.memory_space<hbm>> -> memref<8x128xf32, #tpu.memory_space<hbm>>
    %dma_start3A_50 = arith.constant 0 : i32
    %dma_start3A_51 = arith.constant 0 : i32
    %dma_start3A_52 = tpu.memref_slice %arg5[%dma_start3A_42, %dma_start3A_43, %dma_start3A_50, %dma_start3A_51] : memref<2x4x8x129xf32, #tpu.memory_space<vmem>> -> memref<1x1x8x128xf32, #tpu.memory_space<vmem>>
    %dma_start3A_53 = tpu.memref_squeeze %dma_start3A_52 : memref<1x1x8x128xf32, #tpu.memory_space<vmem>> -> memref<8x128xf32, #tpu.memory_space<vmem>>
    %dma_start3A_54 = arith.constant 8 : i32
    %dma_start3A_55 = tpu.memref_slice %arg2[%dma_start3A_54, %mul3A_41] : memref<32x1000000xf32, #tpu.memory_space<hbm>> -> memref<8x128xf32, #tpu.memory_space<hbm>>
    tpu.enqueue_dma source(%dma_start3A_55 : memref<8x128xf32, #tpu.memory_space<hbm>>) target(%dma_start3A_53 : memref<8x128xf32, #tpu.memory_space<vmem>>) target_semaphore(%arg8 : memref<!tpu.dma_semaphore, #tpu.memory_space<semaphore_mem>>)
    %mul3A_56 = arith.constant 128 : i32
    %mul3A_57 = arith.muli %add3A_4, %mul3A_56 : i32
    %dma_start3A_58 = arith.constant 0 : i32
    %dma_start3A_59 = arith.constant 2 : i32
    %dma_start3A_60 = arith.constant 0 : i32
    %dma_start3A_61 = arith.constant 0 : i32
    %dma_start3A_62 = tpu.memref_slice %arg5[%dma_start3A_58, %dma_start3A_59, %dma_start3A_60, %dma_start3A_61] : memref<2x4x8x129xf32, #tpu.memory_space<vmem>> -> memref<1x1x8x128xf32, #tpu.memory_space<vmem>>
    %dma_start3A_63 = tpu.memref_squeeze %dma_start3A_62 : memref<1x1x8x128xf32, #tpu.memory_space<vmem>> -> memref<8x128xf32, #tpu.memory_space<vmem>>
    %dma_start3A_64 = arith.constant 16 : i32
    %dma_start3A_65 = tpu.memref_slice %arg2[%dma_start3A_64, %mul3A_57] : memref<32x1000000xf32, #tpu.memory_space<hbm>> -> memref<8x128xf32, #tpu.memory_space<hbm>>
    %dma_start3A_66 = arith.constant 0 : i32
    %dma_start3A_67 = arith.constant 0 : i32
    %dma_start3A_68 = tpu.memref_slice %arg5[%dma_start3A_58, %dma_start3A_59, %dma_start3A_66, %dma_start3A_67] : memref<2x4x8x129xf32, #tpu.memory_space<vmem>> -> memref<1x1x8x128xf32, #tpu.memory_space<vmem>>
    %dma_start3A_69 = tpu.memref_squeeze %dma_start3A_68 : memref<1x1x8x128xf32, #tpu.memory_space<vmem>> -> memref<8x128xf32, #tpu.memory_space<vmem>>
    %dma_start3A_70 = arith.constant 16 : i32
    %dma_start3A_71 = tpu.memref_slice %arg2[%dma_start3A_70, %mul3A_57] : memref<32x1000000xf32, #tpu.memory_space<hbm>> -> memref<8x128xf32, #tpu.memory_space<hbm>>
    tpu.enqueue_dma source(%dma_start3A_71 : memref<8x128xf32, #tpu.memory_space<hbm>>) target(%dma_start3A_69 : memref<8x128xf32, #tpu.memory_space<vmem>>) target_semaphore(%arg8 : memref<!tpu.dma_semaphore, #tpu.memory_space<semaphore_mem>>)
    %mul3A_72 = arith.constant 128 : i32
    %mul3A_73 = arith.muli %add3A_4, %mul3A_72 : i32
    %dma_start3A_74 = arith.constant 0 : i32
    %dma_start3A_75 = arith.constant 3 : i32
    %dma_start3A_76 = arith.constant 0 : i32
    %dma_start3A_77 = arith.constant 0 : i32
    %dma_start3A_78 = tpu.memref_slice %arg5[%dma_start3A_74, %dma_start3A_75, %dma_start3A_76, %dma_start3A_77] : memref<2x4x8x129xf32, #tpu.memory_space<vmem>> -> memref<1x1x8x128xf32, #tpu.memory_space<vmem>>
    %dma_start3A_79 = tpu.memref_squeeze %dma_start3A_78 : memref<1x1x8x128xf32, #tpu.memory_space<vmem>> -> memref<8x128xf32, #tpu.memory_space<vmem>>
    %dma_start3A_80 = arith.constant 24 : i32
    %dma_start3A_81 = tpu.memref_slice %arg2[%dma_start3A_80, %mul3A_73] : memref<32x1000000xf32, #tpu.memory_space<hbm>> -> memref<8x128xf32, #tpu.memory_space<hbm>>
    %dma_start3A_82 = arith.constant 0 : i32
    %dma_start3A_83 = arith.constant 0 : i32
    %dma_start3A_84 = tpu.memref_slice %arg5[%dma_start3A_74, %dma_start3A_75, %dma_start3A_82, %dma_start3A_83] : memref<2x4x8x129xf32, #tpu.memory_space<vmem>> -> memref<1x1x8x128xf32, #tpu.memory_space<vmem>>
    %dma_start3A_85 = tpu.memref_squeeze %dma_start3A_84 : memref<1x1x8x128xf32, #tpu.memory_space<vmem>> -> memref<8x128xf32, #tpu.memory_space<vmem>>
    %dma_start3A_86 = arith.constant 24 : i32
    %dma_start3A_87 = tpu.memref_slice %arg2[%dma_start3A_86, %mul3A_73] : memref<32x1000000xf32, #tpu.memory_space<hbm>> -> memref<8x128xf32, #tpu.memory_space<hbm>>
    tpu.enqueue_dma source(%dma_start3A_87 : memref<8x128xf32, #tpu.memory_space<hbm>>) target(%dma_start3A_85 : memref<8x128xf32, #tpu.memory_space<vmem>>) target_semaphore(%arg8 : memref<!tpu.dma_semaphore, #tpu.memory_space<semaphore_mem>>)
    %while3A = arith.constant 0 : i32
    %while3A_88 = arith.constant 0 : i32
    %while3A_89 = arith.subi %add3A_8, %while3A_88 : i32
    %while3A_90 = arith.addi %while3A_88, %while3A_89 : i32
    %while3A_91 = arith.constant 1 : i32
    %while3A_92 = arith.divsi %while3A_89, %while3A_91 : i32
    %while3A_93 = arith.muli %while3A_92, %while3A_91 : i32
    %while3A_94 = arith.addi %while3A_88, %while3A_93 : i32
    %while3A_95 = arith.constant 1 : i32
    scf.for %while3A_120 = %while3A_88 to %while3A_94 step %while3A_95  : i32 {
      %rem3A = arith.constant 2 : i32
      %rem3A_121 = arith.remsi %while3A_120, %rem3A : i32
      %add3A_122 = arith.constant 1 : i32
      %add3A_123 = arith.addi %while3A_120, %add3A_122 : i32
      %lt3A_124 = arith.cmpi slt, %add3A_123, %add3A_8 : i32
      %convert_element_type3A_125 = arith.extui %lt3A_124 : i1 to i32
      %cond3A_126 = arith.constant 0 : i32
      %cond3A_127 = arith.cmpi ne, %convert_element_type3A_125, %cond3A_126 : i32
      scf.if %cond3A_127 {
        %add3A_217 = arith.addi %add3A_4, %while3A_120 : i32
        %add3A_218 = arith.constant 1 : i32
        %add3A_219 = arith.addi %add3A_217, %add3A_218 : i32
        %add3A_220 = arith.constant 1 : i32
        %add3A_221 = arith.addi %while3A_120, %add3A_220 : i32
        %rem3A_222 = arith.constant 2 : i32
        %rem3A_223 = arith.remsi %add3A_221, %rem3A_222 : i32
        %mul3A_224 = arith.constant 128 : i32
        %mul3A_225 = arith.muli %add3A_219, %mul3A_224 : i32
        %dma_start3A_226 = arith.constant 0 : i32
        %dma_start3A_227 = arith.constant 0 : i32
        %dma_start3A_228 = arith.constant 0 : i32
        %dma_start3A_229 = tpu.memref_slice %arg5[%rem3A_223, %dma_start3A_226, %dma_start3A_227, %dma_start3A_228] : memref<2x4x8x129xf32, #tpu.memory_space<vmem>> -> memref<1x1x8x128xf32, #tpu.memory_space<vmem>>
        %dma_start3A_230 = tpu.memref_squeeze %dma_start3A_229 : memref<1x1x8x128xf32, #tpu.memory_space<vmem>> -> memref<8x128xf32, #tpu.memory_space<vmem>>
        %dma_start3A_231 = arith.constant 0 : i32
        %dma_start3A_232 = tpu.memref_slice %arg2[%dma_start3A_231, %mul3A_225] : memref<32x1000000xf32, #tpu.memory_space<hbm>> -> memref<8x128xf32, #tpu.memory_space<hbm>>
        %dma_start3A_233 = arith.constant 0 : i32
        %dma_start3A_234 = arith.constant 0 : i32
        %dma_start3A_235 = tpu.memref_slice %arg5[%rem3A_223, %dma_start3A_226, %dma_start3A_233, %dma_start3A_234] : memref<2x4x8x129xf32, #tpu.memory_space<vmem>> -> memref<1x1x8x128xf32, #tpu.memory_space<vmem>>
        %dma_start3A_236 = tpu.memref_squeeze %dma_start3A_235 : memref<1x1x8x128xf32, #tpu.memory_space<vmem>> -> memref<8x128xf32, #tpu.memory_space<vmem>>
        %dma_start3A_237 = arith.constant 0 : i32
        %dma_start3A_238 = tpu.memref_slice %arg2[%dma_start3A_237, %mul3A_225] : memref<32x1000000xf32, #tpu.memory_space<hbm>> -> memref<8x128xf32, #tpu.memory_space<hbm>>
        tpu.enqueue_dma source(%dma_start3A_238 : memref<8x128xf32, #tpu.memory_space<hbm>>) target(%dma_start3A_236 : memref<8x128xf32, #tpu.memory_space<vmem>>) target_semaphore(%arg8 : memref<!tpu.dma_semaphore, #tpu.memory_space<semaphore_mem>>)
        %mul3A_239 = arith.constant 128 : i32
        %mul3A_240 = arith.muli %add3A_219, %mul3A_239 : i32
        %dma_start3A_241 = arith.constant 1 : i32
        %dma_start3A_242 = arith.constant 0 : i32
        %dma_start3A_243 = arith.constant 0 : i32
        %dma_start3A_244 = tpu.memref_slice %arg5[%rem3A_223, %dma_start3A_241, %dma_start3A_242, %dma_start3A_243] : memref<2x4x8x129xf32, #tpu.memory_space<vmem>> -> memref<1x1x8x128xf32, #tpu.memory_space<vmem>>
        %dma_start3A_245 = tpu.memref_squeeze %dma_start3A_244 : memref<1x1x8x128xf32, #tpu.memory_space<vmem>> -> memref<8x128xf32, #tpu.memory_space<vmem>>
        %dma_start3A_246 = arith.constant 8 : i32
        %dma_start3A_247 = tpu.memref_slice %arg2[%dma_start3A_246, %mul3A_240] : memref<32x1000000xf32, #tpu.memory_space<hbm>> -> memref<8x128xf32, #tpu.memory_space<hbm>>
        %dma_start3A_248 = arith.constant 0 : i32
        %dma_start3A_249 = arith.constant 0 : i32
        %dma_start3A_250 = tpu.memref_slice %arg5[%rem3A_223, %dma_start3A_241, %dma_start3A_248, %dma_start3A_249] : memref<2x4x8x129xf32, #tpu.memory_space<vmem>> -> memref<1x1x8x128xf32, #tpu.memory_space<vmem>>
        %dma_start3A_251 = tpu.memref_squeeze %dma_start3A_250 : memref<1x1x8x128xf32, #tpu.memory_space<vmem>> -> memref<8x128xf32, #tpu.memory_space<vmem>>
        %dma_start3A_252 = arith.constant 8 : i32
        %dma_start3A_253 = tpu.memref_slice %arg2[%dma_start3A_252, %mul3A_240] : memref<32x1000000xf32, #tpu.memory_space<hbm>> -> memref<8x128xf32, #tpu.memory_space<hbm>>
        tpu.enqueue_dma source(%dma_start3A_253 : memref<8x128xf32, #tpu.memory_space<hbm>>) target(%dma_start3A_251 : memref<8x128xf32, #tpu.memory_space<vmem>>) target_semaphore(%arg8 : memref<!tpu.dma_semaphore, #tpu.memory_space<semaphore_mem>>)
        %mul3A_254 = arith.constant 128 : i32
        %mul3A_255 = arith.muli %add3A_219, %mul3A_254 : i32
        %dma_start3A_256 = arith.constant 2 : i32
        %dma_start3A_257 = arith.constant 0 : i32
        %dma_start3A_258 = arith.constant 0 : i32
        %dma_start3A_259 = tpu.memref_slice %arg5[%rem3A_223, %dma_start3A_256, %dma_start3A_257, %dma_start3A_258] : memref<2x4x8x129xf32, #tpu.memory_space<vmem>> -> memref<1x1x8x128xf32, #tpu.memory_space<vmem>>
        %dma_start3A_260 = tpu.memref_squeeze %dma_start3A_259 : memref<1x1x8x128xf32, #tpu.memory_space<vmem>> -> memref<8x128xf32, #tpu.memory_space<vmem>>
        %dma_start3A_261 = arith.constant 16 : i32
        %dma_start3A_262 = tpu.memref_slice %arg2[%dma_start3A_261, %mul3A_255] : memref<32x1000000xf32, #tpu.memory_space<hbm>> -> memref<8x128xf32, #tpu.memory_space<hbm>>
        %dma_start3A_263 = arith.constant 0 : i32
        %dma_start3A_264 = arith.constant 0 : i32
        %dma_start3A_265 = tpu.memref_slice %arg5[%rem3A_223, %dma_start3A_256, %dma_start3A_263, %dma_start3A_264] : memref<2x4x8x129xf32, #tpu.memory_space<vmem>> -> memref<1x1x8x128xf32, #tpu.memory_space<vmem>>
        %dma_start3A_266 = tpu.memref_squeeze %dma_start3A_265 : memref<1x1x8x128xf32, #tpu.memory_space<vmem>> -> memref<8x128xf32, #tpu.memory_space<vmem>>
        %dma_start3A_267 = arith.constant 16 : i32
        %dma_start3A_268 = tpu.memref_slice %arg2[%dma_start3A_267, %mul3A_255] : memref<32x1000000xf32, #tpu.memory_space<hbm>> -> memref<8x128xf32, #tpu.memory_space<hbm>>
        tpu.enqueue_dma source(%dma_start3A_268 : memref<8x128xf32, #tpu.memory_space<hbm>>) target(%dma_start3A_266 : memref<8x128xf32, #tpu.memory_space<vmem>>) target_semaphore(%arg8 : memref<!tpu.dma_semaphore, #tpu.memory_space<semaphore_mem>>)
        %mul3A_269 = arith.constant 128 : i32
        %mul3A_270 = arith.muli %add3A_219, %mul3A_269 : i32
        %dma_start3A_271 = arith.constant 3 : i32
        %dma_start3A_272 = arith.constant 0 : i32
        %dma_start3A_273 = arith.constant 0 : i32
        %dma_start3A_274 = tpu.memref_slice %arg5[%rem3A_223, %dma_start3A_271, %dma_start3A_272, %dma_start3A_273] : memref<2x4x8x129xf32, #tpu.memory_space<vmem>> -> memref<1x1x8x128xf32, #tpu.memory_space<vmem>>
        %dma_start3A_275 = tpu.memref_squeeze %dma_start3A_274 : memref<1x1x8x128xf32, #tpu.memory_space<vmem>> -> memref<8x128xf32, #tpu.memory_space<vmem>>
        %dma_start3A_276 = arith.constant 24 : i32
        %dma_start3A_277 = tpu.memref_slice %arg2[%dma_start3A_276, %mul3A_270] : memref<32x1000000xf32, #tpu.memory_space<hbm>> -> memref<8x128xf32, #tpu.memory_space<hbm>>
        %dma_start3A_278 = arith.constant 0 : i32
        %dma_start3A_279 = arith.constant 0 : i32
        %dma_start3A_280 = tpu.memref_slice %arg5[%rem3A_223, %dma_start3A_271, %dma_start3A_278, %dma_start3A_279] : memref<2x4x8x129xf32, #tpu.memory_space<vmem>> -> memref<1x1x8x128xf32, #tpu.memory_space<vmem>>
        %dma_start3A_281 = tpu.memref_squeeze %dma_start3A_280 : memref<1x1x8x128xf32, #tpu.memory_space<vmem>> -> memref<8x128xf32, #tpu.memory_space<vmem>>
        %dma_start3A_282 = arith.constant 24 : i32
        %dma_start3A_283 = tpu.memref_slice %arg2[%dma_start3A_282, %mul3A_270] : memref<32x1000000xf32, #tpu.memory_space<hbm>> -> memref<8x128xf32, #tpu.memory_space<hbm>>
        tpu.enqueue_dma source(%dma_start3A_283 : memref<8x128xf32, #tpu.memory_space<hbm>>) target(%dma_start3A_281 : memref<8x128xf32, #tpu.memory_space<vmem>>) target_semaphore(%arg8 : memref<!tpu.dma_semaphore, #tpu.memory_space<semaphore_mem>>)
      } else {
      }
      %dma_wait3A_128 = arith.constant 0 : i32
      %dma_wait3A_129 = arith.constant 0 : i32
      %dma_wait3A_130 = arith.constant 0 : i32
      %dma_wait3A_131 = arith.constant 0 : i32
      %dma_wait3A_132 = tpu.memref_slice %arg5[%dma_wait3A_128, %dma_wait3A_129, %dma_wait3A_130, %dma_wait3A_131] : memref<2x4x8x129xf32, #tpu.memory_space<vmem>> -> memref<1x1x8x128xf32, #tpu.memory_space<vmem>>
      %dma_wait3A_133 = tpu.memref_squeeze %dma_wait3A_132 : memref<1x1x8x128xf32, #tpu.memory_space<vmem>> -> memref<8x128xf32, #tpu.memory_space<vmem>>
      %dma_wait3A_134 = arith.constant 0 : i32
      %dma_wait3A_135 = arith.constant 0 : i32
      %dma_wait3A_136 = tpu.memref_slice %arg2[%dma_wait3A_134, %dma_wait3A_135] : memref<32x1000000xf32, #tpu.memory_space<hbm>> -> memref<8x128xf32, #tpu.memory_space<hbm>>
      %dma_wait3A_137 = arith.constant 0 : i32
      %dma_wait3A_138 = arith.constant 0 : i32
      %dma_wait3A_139 = tpu.memref_slice %arg5[%dma_wait3A_128, %dma_wait3A_129, %dma_wait3A_137, %dma_wait3A_138] : memref<2x4x8x129xf32, #tpu.memory_space<vmem>> -> memref<1x1x8x128xf32, #tpu.memory_space<vmem>>
      %dma_wait3A_140 = tpu.memref_squeeze %dma_wait3A_139 : memref<1x1x8x128xf32, #tpu.memory_space<vmem>> -> memref<8x128xf32, #tpu.memory_space<vmem>>
      %dma_wait3A_141 = arith.constant 0 : i32
      %dma_wait3A_142 = arith.constant 0 : i32
      %dma_wait3A_143 = tpu.memref_slice %arg2[%dma_wait3A_141, %dma_wait3A_142] : memref<32x1000000xf32, #tpu.memory_space<hbm>> -> memref<8x128xf32, #tpu.memory_space<hbm>>
      tpu.wait_dma2 semaphore(%arg8 : memref<!tpu.dma_semaphore, #tpu.memory_space<semaphore_mem>>) src(%dma_wait3A_143 : memref<8x128xf32, #tpu.memory_space<hbm>>) dst(%dma_wait3A_140 : memref<8x128xf32, #tpu.memory_space<vmem>>)
      %dma_wait3A_144 = arith.constant 0 : i32
      %dma_wait3A_145 = arith.constant 1 : i32
      %dma_wait3A_146 = arith.constant 0 : i32
      %dma_wait3A_147 = arith.constant 0 : i32
      %dma_wait3A_148 = tpu.memref_slice %arg5[%dma_wait3A_144, %dma_wait3A_145, %dma_wait3A_146, %dma_wait3A_147] : memref<2x4x8x129xf32, #tpu.memory_space<vmem>> -> memref<1x1x8x128xf32, #tpu.memory_space<vmem>>
      %dma_wait3A_149 = tpu.memref_squeeze %dma_wait3A_148 : memref<1x1x8x128xf32, #tpu.memory_space<vmem>> -> memref<8x128xf32, #tpu.memory_space<vmem>>
      %dma_wait3A_150 = arith.constant 0 : i32
      %dma_wait3A_151 = arith.constant 0 : i32
      %dma_wait3A_152 = tpu.memref_slice %arg2[%dma_wait3A_150, %dma_wait3A_151] : memref<32x1000000xf32, #tpu.memory_space<hbm>> -> memref<8x128xf32, #tpu.memory_space<hbm>>
      %dma_wait3A_153 = arith.constant 0 : i32
      %dma_wait3A_154 = arith.constant 0 : i32
      %dma_wait3A_155 = tpu.memref_slice %arg5[%dma_wait3A_144, %dma_wait3A_145, %dma_wait3A_153, %dma_wait3A_154] : memref<2x4x8x129xf32, #tpu.memory_space<vmem>> -> memref<1x1x8x128xf32, #tpu.memory_space<vmem>>
      %dma_wait3A_156 = tpu.memref_squeeze %dma_wait3A_155 : memref<1x1x8x128xf32, #tpu.memory_space<vmem>> -> memref<8x128xf32, #tpu.memory_space<vmem>>
      %dma_wait3A_157 = arith.constant 0 : i32
      %dma_wait3A_158 = arith.constant 0 : i32
      %dma_wait3A_159 = tpu.memref_slice %arg2[%dma_wait3A_157, %dma_wait3A_158] : memref<32x1000000xf32, #tpu.memory_space<hbm>> -> memref<8x128xf32, #tpu.memory_space<hbm>>
      tpu.wait_dma2 semaphore(%arg8 : memref<!tpu.dma_semaphore, #tpu.memory_space<semaphore_mem>>) src(%dma_wait3A_159 : memref<8x128xf32, #tpu.memory_space<hbm>>) dst(%dma_wait3A_156 : memref<8x128xf32, #tpu.memory_space<vmem>>)
      %dma_wait3A_160 = arith.constant 0 : i32
      %dma_wait3A_161 = arith.constant 2 : i32
      %dma_wait3A_162 = arith.constant 0 : i32
      %dma_wait3A_163 = arith.constant 0 : i32
      %dma_wait3A_164 = tpu.memref_slice %arg5[%dma_wait3A_160, %dma_wait3A_161, %dma_wait3A_162, %dma_wait3A_163] : memref<2x4x8x129xf32, #tpu.memory_space<vmem>> -> memref<1x1x8x128xf32, #tpu.memory_space<vmem>>
      %dma_wait3A_165 = tpu.memref_squeeze %dma_wait3A_164 : memref<1x1x8x128xf32, #tpu.memory_space<vmem>> -> memref<8x128xf32, #tpu.memory_space<vmem>>
      %dma_wait3A_166 = arith.constant 0 : i32
      %dma_wait3A_167 = arith.constant 0 : i32
      %dma_wait3A_168 = tpu.memref_slice %arg2[%dma_wait3A_166, %dma_wait3A_167] : memref<32x1000000xf32, #tpu.memory_space<hbm>> -> memref<8x128xf32, #tpu.memory_space<hbm>>
      %dma_wait3A_169 = arith.constant 0 : i32
      %dma_wait3A_170 = arith.constant 0 : i32
      %dma_wait3A_171 = tpu.memref_slice %arg5[%dma_wait3A_160, %dma_wait3A_161, %dma_wait3A_169, %dma_wait3A_170] : memref<2x4x8x129xf32, #tpu.memory_space<vmem>> -> memref<1x1x8x128xf32, #tpu.memory_space<vmem>>
      %dma_wait3A_172 = tpu.memref_squeeze %dma_wait3A_171 : memref<1x1x8x128xf32, #tpu.memory_space<vmem>> -> memref<8x128xf32, #tpu.memory_space<vmem>>
      %dma_wait3A_173 = arith.constant 0 : i32
      %dma_wait3A_174 = arith.constant 0 : i32
      %dma_wait3A_175 = tpu.memref_slice %arg2[%dma_wait3A_173, %dma_wait3A_174] : memref<32x1000000xf32, #tpu.memory_space<hbm>> -> memref<8x128xf32, #tpu.memory_space<hbm>>
      tpu.wait_dma2 semaphore(%arg8 : memref<!tpu.dma_semaphore, #tpu.memory_space<semaphore_mem>>) src(%dma_wait3A_175 : memref<8x128xf32, #tpu.memory_space<hbm>>) dst(%dma_wait3A_172 : memref<8x128xf32, #tpu.memory_space<vmem>>)
      %dma_wait3A_176 = arith.constant 0 : i32
      %dma_wait3A_177 = arith.constant 3 : i32
      %dma_wait3A_178 = arith.constant 0 : i32
      %dma_wait3A_179 = arith.constant 0 : i32
      %dma_wait3A_180 = tpu.memref_slice %arg5[%dma_wait3A_176, %dma_wait3A_177, %dma_wait3A_178, %dma_wait3A_179] : memref<2x4x8x129xf32, #tpu.memory_space<vmem>> -> memref<1x1x8x128xf32, #tpu.memory_space<vmem>>
      %dma_wait3A_181 = tpu.memref_squeeze %dma_wait3A_180 : memref<1x1x8x128xf32, #tpu.memory_space<vmem>> -> memref<8x128xf32, #tpu.memory_space<vmem>>
      %dma_wait3A_182 = arith.constant 0 : i32
      %dma_wait3A_183 = arith.constant 0 : i32
      %dma_wait3A_184 = tpu.memref_slice %arg2[%dma_wait3A_182, %dma_wait3A_183] : memref<32x1000000xf32, #tpu.memory_space<hbm>> -> memref<8x128xf32, #tpu.memory_space<hbm>>
      %dma_wait3A_185 = arith.constant 0 : i32
      %dma_wait3A_186 = arith.constant 0 : i32
      %dma_wait3A_187 = tpu.memref_slice %arg5[%dma_wait3A_176, %dma_wait3A_177, %dma_wait3A_185, %dma_wait3A_186] : memref<2x4x8x129xf32, #tpu.memory_space<vmem>> -> memref<1x1x8x128xf32, #tpu.memory_space<vmem>>
      %dma_wait3A_188 = tpu.memref_squeeze %dma_wait3A_187 : memref<1x1x8x128xf32, #tpu.memory_space<vmem>> -> memref<8x128xf32, #tpu.memory_space<vmem>>
      %dma_wait3A_189 = arith.constant 0 : i32
      %dma_wait3A_190 = arith.constant 0 : i32
      %dma_wait3A_191 = tpu.memref_slice %arg2[%dma_wait3A_189, %dma_wait3A_190] : memref<32x1000000xf32, #tpu.memory_space<hbm>> -> memref<8x128xf32, #tpu.memory_space<hbm>>
      tpu.wait_dma2 semaphore(%arg8 : memref<!tpu.dma_semaphore, #tpu.memory_space<semaphore_mem>>) src(%dma_wait3A_191 : memref<8x128xf32, #tpu.memory_space<hbm>>) dst(%dma_wait3A_188 : memref<8x128xf32, #tpu.memory_space<vmem>>)
      %ge3A = arith.constant 2 : i32
      %ge3A_192 = arith.cmpi sge, %while3A_120, %ge3A : i32
      %convert_element_type3A_193 = arith.extui %ge3A_192 : i1 to i32
      %cond3A_194 = arith.constant 0 : i32
      %cond3A_195 = arith.cmpi ne, %convert_element_type3A_193, %cond3A_194 : i32
      scf.if %cond3A_195 {
        %dma_wait3A_217 = arith.constant 0 : i32
        %dma_wait3A_218 = arith.constant 0 : i32
        %dma_wait3A_219 = tpu.memref_slice %arg6[%dma_wait3A_217, %dma_wait3A_218] : memref<2x4096xf32, #tpu.memory_space<vmem>> -> memref<1x4096xf32, #tpu.memory_space<vmem>>
        %dma_wait3A_220 = tpu.memref_squeeze %dma_wait3A_219 : memref<1x4096xf32, #tpu.memory_space<vmem>> -> memref<4096xf32, #tpu.memory_space<vmem>>
        %dma_wait3A_221 = arith.constant 0 : i32
        %dma_wait3A_222 = tpu.memref_slice %arg4[%dma_wait3A_221] : memref<32000000xf32, #tpu.memory_space<hbm>> -> memref<4096xf32, #tpu.memory_space<hbm>>
        %dma_wait3A_223 = arith.constant 0 : i32
        %dma_wait3A_224 = tpu.memref_slice %arg4[%dma_wait3A_223] : memref<32000000xf32, #tpu.memory_space<hbm>> -> memref<4096xf32, #tpu.memory_space<hbm>>
        %dma_wait3A_225 = arith.constant 0 : i32
        %dma_wait3A_226 = tpu.memref_slice %arg6[%dma_wait3A_217, %dma_wait3A_225] : memref<2x4096xf32, #tpu.memory_space<vmem>> -> memref<1x4096xf32, #tpu.memory_space<vmem>>
        %dma_wait3A_227 = tpu.memref_squeeze %dma_wait3A_226 : memref<1x4096xf32, #tpu.memory_space<vmem>> -> memref<4096xf32, #tpu.memory_space<vmem>>
        tpu.wait_dma2 semaphore(%arg9 : memref<!tpu.dma_semaphore, #tpu.memory_space<semaphore_mem>>) src(%dma_wait3A_227 : memref<4096xf32, #tpu.memory_space<vmem>>) dst(%dma_wait3A_224 : memref<4096xf32, #tpu.memory_space<hbm>>)
      } else {
      }
      %eq3A_196 = arith.constant 0 : i32
      %eq3A_197 = arith.cmpi eq, %rem3A_121, %eq3A_196 : i32
      %convert_element_type3A_198 = arith.extui %eq3A_197 : i1 to i32
      %cond3A_199 = arith.constant 0 : i32
      %cond3A_200 = arith.cmpi ne, %convert_element_type3A_198, %cond3A_199 : i32
      scf.if %cond3A_200 {
        %parallel_loop3A = arith.constant 0 : i32
        %parallel_loop3A_217 = arith.constant 128 : i32
        %parallel_loop3A_218 = arith.constant 1 : i32
        scf.for %parallel_loop3A_219 = %parallel_loop3A to %parallel_loop3A_217 step %parallel_loop3A_218  : i32 {
          %parallel_loop3A_220 = arith.constant 0 : i32
          %parallel_loop3A_221 = vector.broadcast %parallel_loop3A_220 : i32 to vector<16xi32>
          %parallel_loop3A_222 = vector.broadcast %parallel_loop3A_219 : i32 to vector<16xi32>
          %parallel_loop3A_223 = arith.addi %parallel_loop3A_221, %parallel_loop3A_222 : vector<16xi32>
          %parallel_loop3A_224 = arith.constant 0 : i32
          %parallel_loop3A_225 = arith.constant 0 : i32
          %parallel_loop3A_226 = arith.constant 0 : i32
          %parallel_loop3A_227 = arith.constant 0 : i32
          %parallel_loop3A_228 = tpu.memref_slice %arg5[%parallel_loop3A_224, %parallel_loop3A_225, %parallel_loop3A_226, %parallel_loop3A_227] : memref<2x4x8x129xf32, #tpu.memory_space<vmem>> -> memref<1x4x8x129xf32, #tpu.memory_space<vmem>>
          %parallel_loop3A_229 = tpu.memref_squeeze %parallel_loop3A_228 : memref<1x4x8x129xf32, #tpu.memory_space<vmem>> -> memref<4x8x129xf32, #tpu.memory_space<vmem>>
          %parallel_loop3A_230 = tpu.vector_load_idx %parallel_loop3A_229[%shift_right_arithmetic3A_10, %and3A_12, %parallel_loop3A_223] : memref<4x8x129xf32, #tpu.memory_space<vmem>>[vector<16xi32>, vector<16xi32>, vector<16xi32>], vector<16xf32>,
          %parallel_loop3A_231 = arith.constant 0 : i32
          %parallel_loop3A_232 = arith.constant 0 : i32
          %parallel_loop3A_233 = arith.constant 0 : i32
          %parallel_loop3A_234 = arith.constant 0 : i32
          %parallel_loop3A_235 = tpu.memref_slice %arg5[%parallel_loop3A_231, %parallel_loop3A_232, %parallel_loop3A_233, %parallel_loop3A_234] : memref<2x4x8x129xf32, #tpu.memory_space<vmem>> -> memref<1x4x8x129xf32, #tpu.memory_space<vmem>>
          %parallel_loop3A_236 = tpu.memref_squeeze %parallel_loop3A_235 : memref<1x4x8x129xf32, #tpu.memory_space<vmem>> -> memref<4x8x129xf32, #tpu.memory_space<vmem>>
          %parallel_loop3A_237 = tpu.vector_load_idx %parallel_loop3A_236[%shift_right_arithmetic3A_18, %and3A_24, %parallel_loop3A_223] : memref<4x8x129xf32, #tpu.memory_space<vmem>>[vector<16xi32>, vector<16xi32>, vector<16xi32>], vector<16xf32>,
          %parallel_loop3A_238 = arith.constant 32 : i32
          %parallel_loop3A_239 = arith.muli %parallel_loop3A_219, %parallel_loop3A_238 : i32
          %parallel_loop3A_240 = arith.constant 0 : i32
          %parallel_loop3A_241 = arith.index_cast %parallel_loop3A_240 : i32 to index
          %parallel_loop3A_242 = arith.index_cast %parallel_loop3A_239 : i32 to index
          %parallel_loop3A_243 = tpu.vector_load %arg6[%parallel_loop3A_241, %parallel_loop3A_242] {strides = array<i32>} : memref<2x4096xf32, #tpu.memory_space<vmem>>, vector<16xf32>,
          tpu.vector_store %arg6[%parallel_loop3A_241, %parallel_loop3A_242], %parallel_loop3A_230 {strides = array<i32>} : memref<2x4096xf32, #tpu.memory_space<vmem>>, vector<16xf32>,
          %parallel_loop3A_244 = arith.constant 32 : i32
          %parallel_loop3A_245 = arith.muli %parallel_loop3A_219, %parallel_loop3A_244 : i32
          %parallel_loop3A_246 = arith.constant 16 : i32
          %parallel_loop3A_247 = arith.addi %parallel_loop3A_245, %parallel_loop3A_246 : i32
          %parallel_loop3A_248 = arith.constant 0 : i32
          %parallel_loop3A_249 = arith.index_cast %parallel_loop3A_248 : i32 to index
          %parallel_loop3A_250 = arith.index_cast %parallel_loop3A_247 : i32 to index
          %parallel_loop3A_251 = tpu.vector_load %arg6[%parallel_loop3A_249, %parallel_loop3A_250] {strides = array<i32>} : memref<2x4096xf32, #tpu.memory_space<vmem>>, vector<16xf32>,
          tpu.vector_store %arg6[%parallel_loop3A_249, %parallel_loop3A_250], %parallel_loop3A_237 {strides = array<i32>} : memref<2x4096xf32, #tpu.memory_space<vmem>>, vector<16xf32>,
        } {sc.loop_unroll_factor = 8 : i64, sc.parallel_access}
      } else {
      }
      %eq3A_201 = arith.constant 1 : i32
      %eq3A_202 = arith.cmpi eq, %rem3A_121, %eq3A_201 : i32
      %convert_element_type3A_203 = arith.extui %eq3A_202 : i1 to i32
      %cond3A_204 = arith.constant 0 : i32
      %cond3A_205 = arith.cmpi ne, %convert_element_type3A_203, %cond3A_204 : i32
      scf.if %cond3A_205 {
        %parallel_loop3A = arith.constant 0 : i32
        %parallel_loop3A_217 = arith.constant 128 : i32
        %parallel_loop3A_218 = arith.constant 1 : i32
        scf.for %parallel_loop3A_219 = %parallel_loop3A to %parallel_loop3A_217 step %parallel_loop3A_218  : i32 {
          %parallel_loop3A_220 = arith.constant 0 : i32
          %parallel_loop3A_221 = vector.broadcast %parallel_loop3A_220 : i32 to vector<16xi32>
          %parallel_loop3A_222 = vector.broadcast %parallel_loop3A_219 : i32 to vector<16xi32>
          %parallel_loop3A_223 = arith.addi %parallel_loop3A_221, %parallel_loop3A_222 : vector<16xi32>
          %parallel_loop3A_224 = arith.constant 1 : i32
          %parallel_loop3A_225 = arith.constant 0 : i32
          %parallel_loop3A_226 = arith.constant 0 : i32
          %parallel_loop3A_227 = arith.constant 0 : i32
          %parallel_loop3A_228 = tpu.memref_slice %arg5[%parallel_loop3A_224, %parallel_loop3A_225, %parallel_loop3A_226, %parallel_loop3A_227] : memref<2x4x8x129xf32, #tpu.memory_space<vmem>> -> memref<1x4x8x129xf32, #tpu.memory_space<vmem>>
          %parallel_loop3A_229 = tpu.memref_squeeze %parallel_loop3A_228 : memref<1x4x8x129xf32, #tpu.memory_space<vmem>> -> memref<4x8x129xf32, #tpu.memory_space<vmem>>
          %parallel_loop3A_230 = tpu.vector_load_idx %parallel_loop3A_229[%shift_right_arithmetic3A_10, %and3A_12, %parallel_loop3A_223] : memref<4x8x129xf32, #tpu.memory_space<vmem>>[vector<16xi32>, vector<16xi32>, vector<16xi32>], vector<16xf32>,
          %parallel_loop3A_231 = arith.constant 1 : i32
          %parallel_loop3A_232 = arith.constant 0 : i32
          %parallel_loop3A_233 = arith.constant 0 : i32
          %parallel_loop3A_234 = arith.constant 0 : i32
          %parallel_loop3A_235 = tpu.memref_slice %arg5[%parallel_loop3A_231, %parallel_loop3A_232, %parallel_loop3A_233, %parallel_loop3A_234] : memref<2x4x8x129xf32, #tpu.memory_space<vmem>> -> memref<1x4x8x129xf32, #tpu.memory_space<vmem>>
          %parallel_loop3A_236 = tpu.memref_squeeze %parallel_loop3A_235 : memref<1x4x8x129xf32, #tpu.memory_space<vmem>> -> memref<4x8x129xf32, #tpu.memory_space<vmem>>
          %parallel_loop3A_237 = tpu.vector_load_idx %parallel_loop3A_236[%shift_right_arithmetic3A_18, %and3A_24, %parallel_loop3A_223] : memref<4x8x129xf32, #tpu.memory_space<vmem>>[vector<16xi32>, vector<16xi32>, vector<16xi32>], vector<16xf32>,
          %parallel_loop3A_238 = arith.constant 32 : i32
          %parallel_loop3A_239 = arith.muli %parallel_loop3A_219, %parallel_loop3A_238 : i32
          %parallel_loop3A_240 = arith.constant 1 : i32
          %parallel_loop3A_241 = arith.index_cast %parallel_loop3A_240 : i32 to index
          %parallel_loop3A_242 = arith.index_cast %parallel_loop3A_239 : i32 to index
          %parallel_loop3A_243 = tpu.vector_load %arg6[%parallel_loop3A_241, %parallel_loop3A_242] {strides = array<i32>} : memref<2x4096xf32, #tpu.memory_space<vmem>>, vector<16xf32>,
          tpu.vector_store %arg6[%parallel_loop3A_241, %parallel_loop3A_242], %parallel_loop3A_230 {strides = array<i32>} : memref<2x4096xf32, #tpu.memory_space<vmem>>, vector<16xf32>,
          %parallel_loop3A_244 = arith.constant 32 : i32
          %parallel_loop3A_245 = arith.muli %parallel_loop3A_219, %parallel_loop3A_244 : i32
          %parallel_loop3A_246 = arith.constant 16 : i32
          %parallel_loop3A_247 = arith.addi %parallel_loop3A_245, %parallel_loop3A_246 : i32
          %parallel_loop3A_248 = arith.constant 1 : i32
          %parallel_loop3A_249 = arith.index_cast %parallel_loop3A_248 : i32 to index
          %parallel_loop3A_250 = arith.index_cast %parallel_loop3A_247 : i32 to index
          %parallel_loop3A_251 = tpu.vector_load %arg6[%parallel_loop3A_249, %parallel_loop3A_250] {strides = array<i32>} : memref<2x4096xf32, #tpu.memory_space<vmem>>, vector<16xf32>,
          tpu.vector_store %arg6[%parallel_loop3A_249, %parallel_loop3A_250], %parallel_loop3A_237 {strides = array<i32>} : memref<2x4096xf32, #tpu.memory_space<vmem>>, vector<16xf32>,
        } {sc.loop_unroll_factor = 8 : i64, sc.parallel_access}
      } else {
      }
      %add3A_206 = arith.addi %add3A_4, %while3A_120 : i32
      %mul3A_207 = arith.constant 4096 : i32
      %mul3A_208 = arith.muli %add3A_206, %mul3A_207 : i32
      %dma_start3A_209 = arith.constant 0 : i32
      %dma_start3A_210 = tpu.memref_slice %arg6[%rem3A_121, %dma_start3A_209] : memref<2x4096xf32, #tpu.memory_space<vmem>> -> memref<1x4096xf32, #tpu.memory_space<vmem>>
      %dma_start3A_211 = tpu.memref_squeeze %dma_start3A_210 : memref<1x4096xf32, #tpu.memory_space<vmem>> -> memref<4096xf32, #tpu.memory_space<vmem>>
      %dma_start3A_212 = tpu.memref_slice %arg4[%mul3A_208] : memref<32000000xf32, #tpu.memory_space<hbm>> -> memref<4096xf32, #tpu.memory_space<hbm>>
      %dma_start3A_213 = tpu.memref_slice %arg4[%mul3A_208] : memref<32000000xf32, #tpu.memory_space<hbm>> -> memref<4096xf32, #tpu.memory_space<hbm>>
      %dma_start3A_214 = arith.constant 0 : i32
      %dma_start3A_215 = tpu.memref_slice %arg6[%rem3A_121, %dma_start3A_214] : memref<2x4096xf32, #tpu.memory_space<vmem>> -> memref<1x4096xf32, #tpu.memory_space<vmem>>
      %dma_start3A_216 = tpu.memref_squeeze %dma_start3A_215 : memref<1x4096xf32, #tpu.memory_space<vmem>> -> memref<4096xf32, #tpu.memory_space<vmem>>
      tpu.enqueue_dma source(%dma_start3A_216 : memref<4096xf32, #tpu.memory_space<vmem>>) target(%dma_start3A_213 : memref<4096xf32, #tpu.memory_space<hbm>>) target_semaphore(%arg9 : memref<!tpu.dma_semaphore, #tpu.memory_space<semaphore_mem>>)
    }
    %while3A_96 = arith.constant 1 : i32
    scf.for %while3A_120 = %while3A_94 to %while3A_90 step %while3A_96  : i32 {
      %rem3A = arith.constant 2 : i32
      %rem3A_121 = arith.remsi %while3A_120, %rem3A : i32
      %add3A_122 = arith.constant 1 : i32
      %add3A_123 = arith.addi %while3A_120, %add3A_122 : i32
      %lt3A_124 = arith.cmpi slt, %add3A_123, %add3A_8 : i32
      %convert_element_type3A_125 = arith.extui %lt3A_124 : i1 to i32
      %cond3A_126 = arith.constant 0 : i32
      %cond3A_127 = arith.cmpi ne, %convert_element_type3A_125, %cond3A_126 : i32
      scf.if %cond3A_127 {
        %add3A_217 = arith.addi %add3A_4, %while3A_120 : i32
        %add3A_218 = arith.constant 1 : i32
        %add3A_219 = arith.addi %add3A_217, %add3A_218 : i32
        %add3A_220 = arith.constant 1 : i32
        %add3A_221 = arith.addi %while3A_120, %add3A_220 : i32
        %rem3A_222 = arith.constant 2 : i32
        %rem3A_223 = arith.remsi %add3A_221, %rem3A_222 : i32
        %mul3A_224 = arith.constant 128 : i32
        %mul3A_225 = arith.muli %add3A_219, %mul3A_224 : i32
        %dma_start3A_226 = arith.constant 0 : i32
        %dma_start3A_227 = arith.constant 0 : i32
        %dma_start3A_228 = arith.constant 0 : i32
        %dma_start3A_229 = tpu.memref_slice %arg5[%rem3A_223, %dma_start3A_226, %dma_start3A_227, %dma_start3A_228] : memref<2x4x8x129xf32, #tpu.memory_space<vmem>> -> memref<1x1x8x128xf32, #tpu.memory_space<vmem>>
        %dma_start3A_230 = tpu.memref_squeeze %dma_start3A_229 : memref<1x1x8x128xf32, #tpu.memory_space<vmem>> -> memref<8x128xf32, #tpu.memory_space<vmem>>
        %dma_start3A_231 = arith.constant 0 : i32
        %dma_start3A_232 = tpu.memref_slice %arg2[%dma_start3A_231, %mul3A_225] : memref<32x1000000xf32, #tpu.memory_space<hbm>> -> memref<8x128xf32, #tpu.memory_space<hbm>>
        %dma_start3A_233 = arith.constant 0 : i32
        %dma_start3A_234 = arith.constant 0 : i32
        %dma_start3A_235 = tpu.memref_slice %arg5[%rem3A_223, %dma_start3A_226, %dma_start3A_233, %dma_start3A_234] : memref<2x4x8x129xf32, #tpu.memory_space<vmem>> -> memref<1x1x8x128xf32, #tpu.memory_space<vmem>>
        %dma_start3A_236 = tpu.memref_squeeze %dma_start3A_235 : memref<1x1x8x128xf32, #tpu.memory_space<vmem>> -> memref<8x128xf32, #tpu.memory_space<vmem>>
        %dma_start3A_237 = arith.constant 0 : i32
        %dma_start3A_238 = tpu.memref_slice %arg2[%dma_start3A_237, %mul3A_225] : memref<32x1000000xf32, #tpu.memory_space<hbm>> -> memref<8x128xf32, #tpu.memory_space<hbm>>
        tpu.enqueue_dma source(%dma_start3A_238 : memref<8x128xf32, #tpu.memory_space<hbm>>) target(%dma_start3A_236 : memref<8x128xf32, #tpu.memory_space<vmem>>) target_semaphore(%arg8 : memref<!tpu.dma_semaphore, #tpu.memory_space<semaphore_mem>>)
        %mul3A_239 = arith.constant 128 : i32
        %mul3A_240 = arith.muli %add3A_219, %mul3A_239 : i32
        %dma_start3A_241 = arith.constant 1 : i32
        %dma_start3A_242 = arith.constant 0 : i32
        %dma_start3A_243 = arith.constant 0 : i32
        %dma_start3A_244 = tpu.memref_slice %arg5[%rem3A_223, %dma_start3A_241, %dma_start3A_242, %dma_start3A_243] : memref<2x4x8x129xf32, #tpu.memory_space<vmem>> -> memref<1x1x8x128xf32, #tpu.memory_space<vmem>>
        %dma_start3A_245 = tpu.memref_squeeze %dma_start3A_244 : memref<1x1x8x128xf32, #tpu.memory_space<vmem>> -> memref<8x128xf32, #tpu.memory_space<vmem>>
        %dma_start3A_246 = arith.constant 8 : i32
        %dma_start3A_247 = tpu.memref_slice %arg2[%dma_start3A_246, %mul3A_240] : memref<32x1000000xf32, #tpu.memory_space<hbm>> -> memref<8x128xf32, #tpu.memory_space<hbm>>
        %dma_start3A_248 = arith.constant 0 : i32
        %dma_start3A_249 = arith.constant 0 : i32
        %dma_start3A_250 = tpu.memref_slice %arg5[%rem3A_223, %dma_start3A_241, %dma_start3A_248, %dma_start3A_249] : memref<2x4x8x129xf32, #tpu.memory_space<vmem>> -> memref<1x1x8x128xf32, #tpu.memory_space<vmem>>
        %dma_start3A_251 = tpu.memref_squeeze %dma_start3A_250 : memref<1x1x8x128xf32, #tpu.memory_space<vmem>> -> memref<8x128xf32, #tpu.memory_space<vmem>>
        %dma_start3A_252 = arith.constant 8 : i32
        %dma_start3A_253 = tpu.memref_slice %arg2[%dma_start3A_252, %mul3A_240] : memref<32x1000000xf32, #tpu.memory_space<hbm>> -> memref<8x128xf32, #tpu.memory_space<hbm>>
        tpu.enqueue_dma source(%dma_start3A_253 : memref<8x128xf32, #tpu.memory_space<hbm>>) target(%dma_start3A_251 : memref<8x128xf32, #tpu.memory_space<vmem>>) target_semaphore(%arg8 : memref<!tpu.dma_semaphore, #tpu.memory_space<semaphore_mem>>)
        %mul3A_254 = arith.constant 128 : i32
        %mul3A_255 = arith.muli %add3A_219, %mul3A_254 : i32
        %dma_start3A_256 = arith.constant 2 : i32
        %dma_start3A_257 = arith.constant 0 : i32
        %dma_start3A_258 = arith.constant 0 : i32
        %dma_start3A_259 = tpu.memref_slice %arg5[%rem3A_223, %dma_start3A_256, %dma_start3A_257, %dma_start3A_258] : memref<2x4x8x129xf32, #tpu.memory_space<vmem>> -> memref<1x1x8x128xf32, #tpu.memory_space<vmem>>
        %dma_start3A_260 = tpu.memref_squeeze %dma_start3A_259 : memref<1x1x8x128xf32, #tpu.memory_space<vmem>> -> memref<8x128xf32, #tpu.memory_space<vmem>>
        %dma_start3A_261 = arith.constant 16 : i32
        %dma_start3A_262 = tpu.memref_slice %arg2[%dma_start3A_261, %mul3A_255] : memref<32x1000000xf32, #tpu.memory_space<hbm>> -> memref<8x128xf32, #tpu.memory_space<hbm>>
        %dma_start3A_263 = arith.constant 0 : i32
        %dma_start3A_264 = arith.constant 0 : i32
        %dma_start3A_265 = tpu.memref_slice %arg5[%rem3A_223, %dma_start3A_256, %dma_start3A_263, %dma_start3A_264] : memref<2x4x8x129xf32, #tpu.memory_space<vmem>> -> memref<1x1x8x128xf32, #tpu.memory_space<vmem>>
        %dma_start3A_266 = tpu.memref_squeeze %dma_start3A_265 : memref<1x1x8x128xf32, #tpu.memory_space<vmem>> -> memref<8x128xf32, #tpu.memory_space<vmem>>
        %dma_start3A_267 = arith.constant 16 : i32
        %dma_start3A_268 = tpu.memref_slice %arg2[%dma_start3A_267, %mul3A_255] : memref<32x1000000xf32, #tpu.memory_space<hbm>> -> memref<8x128xf32, #tpu.memory_space<hbm>>
        tpu.enqueue_dma source(%dma_start3A_268 : memref<8x128xf32, #tpu.memory_space<hbm>>) target(%dma_start3A_266 : memref<8x128xf32, #tpu.memory_space<vmem>>) target_semaphore(%arg8 : memref<!tpu.dma_semaphore, #tpu.memory_space<semaphore_mem>>)
        %mul3A_269 = arith.constant 128 : i32
        %mul3A_270 = arith.muli %add3A_219, %mul3A_269 : i32
        %dma_start3A_271 = arith.constant 3 : i32
        %dma_start3A_272 = arith.constant 0 : i32
        %dma_start3A_273 = arith.constant 0 : i32
        %dma_start3A_274 = tpu.memref_slice %arg5[%rem3A_223, %dma_start3A_271, %dma_start3A_272, %dma_start3A_273] : memref<2x4x8x129xf32, #tpu.memory_space<vmem>> -> memref<1x1x8x128xf32, #tpu.memory_space<vmem>>
        %dma_start3A_275 = tpu.memref_squeeze %dma_start3A_274 : memref<1x1x8x128xf32, #tpu.memory_space<vmem>> -> memref<8x128xf32, #tpu.memory_space<vmem>>
        %dma_start3A_276 = arith.constant 24 : i32
        %dma_start3A_277 = tpu.memref_slice %arg2[%dma_start3A_276, %mul3A_270] : memref<32x1000000xf32, #tpu.memory_space<hbm>> -> memref<8x128xf32, #tpu.memory_space<hbm>>
        %dma_start3A_278 = arith.constant 0 : i32
        %dma_start3A_279 = arith.constant 0 : i32
        %dma_start3A_280 = tpu.memref_slice %arg5[%rem3A_223, %dma_start3A_271, %dma_start3A_278, %dma_start3A_279] : memref<2x4x8x129xf32, #tpu.memory_space<vmem>> -> memref<1x1x8x128xf32, #tpu.memory_space<vmem>>
        %dma_start3A_281 = tpu.memref_squeeze %dma_start3A_280 : memref<1x1x8x128xf32, #tpu.memory_space<vmem>> -> memref<8x128xf32, #tpu.memory_space<vmem>>
        %dma_start3A_282 = arith.constant 24 : i32
        %dma_start3A_283 = tpu.memref_slice %arg2[%dma_start3A_282, %mul3A_270] : memref<32x1000000xf32, #tpu.memory_space<hbm>> -> memref<8x128xf32, #tpu.memory_space<hbm>>
        tpu.enqueue_dma source(%dma_start3A_283 : memref<8x128xf32, #tpu.memory_space<hbm>>) target(%dma_start3A_281 : memref<8x128xf32, #tpu.memory_space<vmem>>) target_semaphore(%arg8 : memref<!tpu.dma_semaphore, #tpu.memory_space<semaphore_mem>>)
      } else {
      }
      %dma_wait3A_128 = arith.constant 0 : i32
      %dma_wait3A_129 = arith.constant 0 : i32
      %dma_wait3A_130 = arith.constant 0 : i32
      %dma_wait3A_131 = arith.constant 0 : i32
      %dma_wait3A_132 = tpu.memref_slice %arg5[%dma_wait3A_128, %dma_wait3A_129, %dma_wait3A_130, %dma_wait3A_131] : memref<2x4x8x129xf32, #tpu.memory_space<vmem>> -> memref<1x1x8x128xf32, #tpu.memory_space<vmem>>
      %dma_wait3A_133 = tpu.memref_squeeze %dma_wait3A_132 : memref<1x1x8x128xf32, #tpu.memory_space<vmem>> -> memref<8x128xf32, #tpu.memory_space<vmem>>
      %dma_wait3A_134 = arith.constant 0 : i32
      %dma_wait3A_135 = arith.constant 0 : i32
      %dma_wait3A_136 = tpu.memref_slice %arg2[%dma_wait3A_134, %dma_wait3A_135] : memref<32x1000000xf32, #tpu.memory_space<hbm>> -> memref<8x128xf32, #tpu.memory_space<hbm>>
      %dma_wait3A_137 = arith.constant 0 : i32
      %dma_wait3A_138 = arith.constant 0 : i32
      %dma_wait3A_139 = tpu.memref_slice %arg5[%dma_wait3A_128, %dma_wait3A_129, %dma_wait3A_137, %dma_wait3A_138] : memref<2x4x8x129xf32, #tpu.memory_space<vmem>> -> memref<1x1x8x128xf32, #tpu.memory_space<vmem>>
      %dma_wait3A_140 = tpu.memref_squeeze %dma_wait3A_139 : memref<1x1x8x128xf32, #tpu.memory_space<vmem>> -> memref<8x128xf32, #tpu.memory_space<vmem>>
      %dma_wait3A_141 = arith.constant 0 : i32
      %dma_wait3A_142 = arith.constant 0 : i32
      %dma_wait3A_143 = tpu.memref_slice %arg2[%dma_wait3A_141, %dma_wait3A_142] : memref<32x1000000xf32, #tpu.memory_space<hbm>> -> memref<8x128xf32, #tpu.memory_space<hbm>>
      tpu.wait_dma2 semaphore(%arg8 : memref<!tpu.dma_semaphore, #tpu.memory_space<semaphore_mem>>) src(%dma_wait3A_143 : memref<8x128xf32, #tpu.memory_space<hbm>>) dst(%dma_wait3A_140 : memref<8x128xf32, #tpu.memory_space<vmem>>)
      %dma_wait3A_144 = arith.constant 0 : i32
      %dma_wait3A_145 = arith.constant 1 : i32
      %dma_wait3A_146 = arith.constant 0 : i32
      %dma_wait3A_147 = arith.constant 0 : i32
      %dma_wait3A_148 = tpu.memref_slice %arg5[%dma_wait3A_144, %dma_wait3A_145, %dma_wait3A_146, %dma_wait3A_147] : memref<2x4x8x129xf32, #tpu.memory_space<vmem>> -> memref<1x1x8x128xf32, #tpu.memory_space<vmem>>
      %dma_wait3A_149 = tpu.memref_squeeze %dma_wait3A_148 : memref<1x1x8x128xf32, #tpu.memory_space<vmem>> -> memref<8x128xf32, #tpu.memory_space<vmem>>
      %dma_wait3A_150 = arith.constant 0 : i32
      %dma_wait3A_151 = arith.constant 0 : i32
      %dma_wait3A_152 = tpu.memref_slice %arg2[%dma_wait3A_150, %dma_wait3A_151] : memref<32x1000000xf32, #tpu.memory_space<hbm>> -> memref<8x128xf32, #tpu.memory_space<hbm>>
      %dma_wait3A_153 = arith.constant 0 : i32
      %dma_wait3A_154 = arith.constant 0 : i32
      %dma_wait3A_155 = tpu.memref_slice %arg5[%dma_wait3A_144, %dma_wait3A_145, %dma_wait3A_153, %dma_wait3A_154] : memref<2x4x8x129xf32, #tpu.memory_space<vmem>> -> memref<1x1x8x128xf32, #tpu.memory_space<vmem>>
      %dma_wait3A_156 = tpu.memref_squeeze %dma_wait3A_155 : memref<1x1x8x128xf32, #tpu.memory_space<vmem>> -> memref<8x128xf32, #tpu.memory_space<vmem>>
      %dma_wait3A_157 = arith.constant 0 : i32
      %dma_wait3A_158 = arith.constant 0 : i32
      %dma_wait3A_159 = tpu.memref_slice %arg2[%dma_wait3A_157, %dma_wait3A_158] : memref<32x1000000xf32, #tpu.memory_space<hbm>> -> memref<8x128xf32, #tpu.memory_space<hbm>>
      tpu.wait_dma2 semaphore(%arg8 : memref<!tpu.dma_semaphore, #tpu.memory_space<semaphore_mem>>) src(%dma_wait3A_159 : memref<8x128xf32, #tpu.memory_space<hbm>>) dst(%dma_wait3A_156 : memref<8x128xf32, #tpu.memory_space<vmem>>)
      %dma_wait3A_160 = arith.constant 0 : i32
      %dma_wait3A_161 = arith.constant 2 : i32
      %dma_wait3A_162 = arith.constant 0 : i32
      %dma_wait3A_163 = arith.constant 0 : i32
      %dma_wait3A_164 = tpu.memref_slice %arg5[%dma_wait3A_160, %dma_wait3A_161, %dma_wait3A_162, %dma_wait3A_163] : memref<2x4x8x129xf32, #tpu.memory_space<vmem>> -> memref<1x1x8x128xf32, #tpu.memory_space<vmem>>
      %dma_wait3A_165 = tpu.memref_squeeze %dma_wait3A_164 : memref<1x1x8x128xf32, #tpu.memory_space<vmem>> -> memref<8x128xf32, #tpu.memory_space<vmem>>
      %dma_wait3A_166 = arith.constant 0 : i32
      %dma_wait3A_167 = arith.constant 0 : i32
      %dma_wait3A_168 = tpu.memref_slice %arg2[%dma_wait3A_166, %dma_wait3A_167] : memref<32x1000000xf32, #tpu.memory_space<hbm>> -> memref<8x128xf32, #tpu.memory_space<hbm>>
      %dma_wait3A_169 = arith.constant 0 : i32
      %dma_wait3A_170 = arith.constant 0 : i32
      %dma_wait3A_171 = tpu.memref_slice %arg5[%dma_wait3A_160, %dma_wait3A_161, %dma_wait3A_169, %dma_wait3A_170] : memref<2x4x8x129xf32, #tpu.memory_space<vmem>> -> memref<1x1x8x128xf32, #tpu.memory_space<vmem>>
      %dma_wait3A_172 = tpu.memref_squeeze %dma_wait3A_171 : memref<1x1x8x128xf32, #tpu.memory_space<vmem>> -> memref<8x128xf32, #tpu.memory_space<vmem>>
      %dma_wait3A_173 = arith.constant 0 : i32
      %dma_wait3A_174 = arith.constant 0 : i32
      %dma_wait3A_175 = tpu.memref_slice %arg2[%dma_wait3A_173, %dma_wait3A_174] : memref<32x1000000xf32, #tpu.memory_space<hbm>> -> memref<8x128xf32, #tpu.memory_space<hbm>>
      tpu.wait_dma2 semaphore(%arg8 : memref<!tpu.dma_semaphore, #tpu.memory_space<semaphore_mem>>) src(%dma_wait3A_175 : memref<8x128xf32, #tpu.memory_space<hbm>>) dst(%dma_wait3A_172 : memref<8x128xf32, #tpu.memory_space<vmem>>)
      %dma_wait3A_176 = arith.constant 0 : i32
      %dma_wait3A_177 = arith.constant 3 : i32
      %dma_wait3A_178 = arith.constant 0 : i32
      %dma_wait3A_179 = arith.constant 0 : i32
      %dma_wait3A_180 = tpu.memref_slice %arg5[%dma_wait3A_176, %dma_wait3A_177, %dma_wait3A_178, %dma_wait3A_179] : memref<2x4x8x129xf32, #tpu.memory_space<vmem>> -> memref<1x1x8x128xf32, #tpu.memory_space<vmem>>
      %dma_wait3A_181 = tpu.memref_squeeze %dma_wait3A_180 : memref<1x1x8x128xf32, #tpu.memory_space<vmem>> -> memref<8x128xf32, #tpu.memory_space<vmem>>
      %dma_wait3A_182 = arith.constant 0 : i32
      %dma_wait3A_183 = arith.constant 0 : i32
      %dma_wait3A_184 = tpu.memref_slice %arg2[%dma_wait3A_182, %dma_wait3A_183] : memref<32x1000000xf32, #tpu.memory_space<hbm>> -> memref<8x128xf32, #tpu.memory_space<hbm>>
      %dma_wait3A_185 = arith.constant 0 : i32
      %dma_wait3A_186 = arith.constant 0 : i32
      %dma_wait3A_187 = tpu.memref_slice %arg5[%dma_wait3A_176, %dma_wait3A_177, %dma_wait3A_185, %dma_wait3A_186] : memref<2x4x8x129xf32, #tpu.memory_space<vmem>> -> memref<1x1x8x128xf32, #tpu.memory_space<vmem>>
      %dma_wait3A_188 = tpu.memref_squeeze %dma_wait3A_187 : memref<1x1x8x128xf32, #tpu.memory_space<vmem>> -> memref<8x128xf32, #tpu.memory_space<vmem>>
      %dma_wait3A_189 = arith.constant 0 : i32
      %dma_wait3A_190 = arith.constant 0 : i32
      %dma_wait3A_191 = tpu.memref_slice %arg2[%dma_wait3A_189, %dma_wait3A_190] : memref<32x1000000xf32, #tpu.memory_space<hbm>> -> memref<8x128xf32, #tpu.memory_space<hbm>>
      tpu.wait_dma2 semaphore(%arg8 : memref<!tpu.dma_semaphore, #tpu.memory_space<semaphore_mem>>) src(%dma_wait3A_191 : memref<8x128xf32, #tpu.memory_space<hbm>>) dst(%dma_wait3A_188 : memref<8x128xf32, #tpu.memory_space<vmem>>)
      %ge3A = arith.constant 2 : i32
      %ge3A_192 = arith.cmpi sge, %while3A_120, %ge3A : i32
      %convert_element_type3A_193 = arith.extui %ge3A_192 : i1 to i32
      %cond3A_194 = arith.constant 0 : i32
      %cond3A_195 = arith.cmpi ne, %convert_element_type3A_193, %cond3A_194 : i32
      scf.if %cond3A_195 {
        %dma_wait3A_217 = arith.constant 0 : i32
        %dma_wait3A_218 = arith.constant 0 : i32
        %dma_wait3A_219 = tpu.memref_slice %arg6[%dma_wait3A_217, %dma_wait3A_218] : memref<2x4096xf32, #tpu.memory_space<vmem>> -> memref<1x4096xf32, #tpu.memory_space<vmem>>
        %dma_wait3A_220 = tpu.memref_squeeze %dma_wait3A_219 : memref<1x4096xf32, #tpu.memory_space<vmem>> -> memref<4096xf32, #tpu.memory_space<vmem>>
        %dma_wait3A_221 = arith.constant 0 : i32
        %dma_wait3A_222 = tpu.memref_slice %arg4[%dma_wait3A_221] : memref<32000000xf32, #tpu.memory_space<hbm>> -> memref<4096xf32, #tpu.memory_space<hbm>>
        %dma_wait3A_223 = arith.constant 0 : i32
        %dma_wait3A_224 = tpu.memref_slice %arg4[%dma_wait3A_223] : memref<32000000xf32, #tpu.memory_space<hbm>> -> memref<4096xf32, #tpu.memory_space<hbm>>
        %dma_wait3A_225 = arith.constant 0 : i32
        %dma_wait3A_226 = tpu.memref_slice %arg6[%dma_wait3A_217, %dma_wait3A_225] : memref<2x4096xf32, #tpu.memory_space<vmem>> -> memref<1x4096xf32, #tpu.memory_space<vmem>>
        %dma_wait3A_227 = tpu.memref_squeeze %dma_wait3A_226 : memref<1x4096xf32, #tpu.memory_space<vmem>> -> memref<4096xf32, #tpu.memory_space<vmem>>
        tpu.wait_dma2 semaphore(%arg9 : memref<!tpu.dma_semaphore, #tpu.memory_space<semaphore_mem>>) src(%dma_wait3A_227 : memref<4096xf32, #tpu.memory_space<vmem>>) dst(%dma_wait3A_224 : memref<4096xf32, #tpu.memory_space<hbm>>)
      } else {
      }
      %eq3A_196 = arith.constant 0 : i32
      %eq3A_197 = arith.cmpi eq, %rem3A_121, %eq3A_196 : i32
      %convert_element_type3A_198 = arith.extui %eq3A_197 : i1 to i32
      %cond3A_199 = arith.constant 0 : i32
      %cond3A_200 = arith.cmpi ne, %convert_element_type3A_198, %cond3A_199 : i32
      scf.if %cond3A_200 {
        %parallel_loop3A = arith.constant 0 : i32
        %parallel_loop3A_217 = arith.constant 128 : i32
        %parallel_loop3A_218 = arith.constant 1 : i32
        scf.for %parallel_loop3A_219 = %parallel_loop3A to %parallel_loop3A_217 step %parallel_loop3A_218  : i32 {
          %parallel_loop3A_220 = arith.constant 0 : i32
          %parallel_loop3A_221 = vector.broadcast %parallel_loop3A_220 : i32 to vector<16xi32>
          %parallel_loop3A_222 = vector.broadcast %parallel_loop3A_219 : i32 to vector<16xi32>
          %parallel_loop3A_223 = arith.addi %parallel_loop3A_221, %parallel_loop3A_222 : vector<16xi32>
          %parallel_loop3A_224 = arith.constant 0 : i32
          %parallel_loop3A_225 = arith.constant 0 : i32
          %parallel_loop3A_226 = arith.constant 0 : i32
          %parallel_loop3A_227 = arith.constant 0 : i32
          %parallel_loop3A_228 = tpu.memref_slice %arg5[%parallel_loop3A_224, %parallel_loop3A_225, %parallel_loop3A_226, %parallel_loop3A_227] : memref<2x4x8x129xf32, #tpu.memory_space<vmem>> -> memref<1x4x8x129xf32, #tpu.memory_space<vmem>>
          %parallel_loop3A_229 = tpu.memref_squeeze %parallel_loop3A_228 : memref<1x4x8x129xf32, #tpu.memory_space<vmem>> -> memref<4x8x129xf32, #tpu.memory_space<vmem>>
          %parallel_loop3A_230 = tpu.vector_load_idx %parallel_loop3A_229[%shift_right_arithmetic3A_10, %and3A_12, %parallel_loop3A_223] : memref<4x8x129xf32, #tpu.memory_space<vmem>>[vector<16xi32>, vector<16xi32>, vector<16xi32>], vector<16xf32>,
          %parallel_loop3A_231 = arith.constant 0 : i32
          %parallel_loop3A_232 = arith.constant 0 : i32
          %parallel_loop3A_233 = arith.constant 0 : i32
          %parallel_loop3A_234 = arith.constant 0 : i32
          %parallel_loop3A_235 = tpu.memref_slice %arg5[%parallel_loop3A_231, %parallel_loop3A_232, %parallel_loop3A_233, %parallel_loop3A_234] : memref<2x4x8x129xf32, #tpu.memory_space<vmem>> -> memref<1x4x8x129xf32, #tpu.memory_space<vmem>>
          %parallel_loop3A_236 = tpu.memref_squeeze %parallel_loop3A_235 : memref<1x4x8x129xf32, #tpu.memory_space<vmem>> -> memref<4x8x129xf32, #tpu.memory_space<vmem>>
          %parallel_loop3A_237 = tpu.vector_load_idx %parallel_loop3A_236[%shift_right_arithmetic3A_18, %and3A_24, %parallel_loop3A_223] : memref<4x8x129xf32, #tpu.memory_space<vmem>>[vector<16xi32>, vector<16xi32>, vector<16xi32>], vector<16xf32>,
          %parallel_loop3A_238 = arith.constant 32 : i32
          %parallel_loop3A_239 = arith.muli %parallel_loop3A_219, %parallel_loop3A_238 : i32
          %parallel_loop3A_240 = arith.constant 0 : i32
          %parallel_loop3A_241 = arith.index_cast %parallel_loop3A_240 : i32 to index
          %parallel_loop3A_242 = arith.index_cast %parallel_loop3A_239 : i32 to index
          %parallel_loop3A_243 = tpu.vector_load %arg6[%parallel_loop3A_241, %parallel_loop3A_242] {strides = array<i32>} : memref<2x4096xf32, #tpu.memory_space<vmem>>, vector<16xf32>,
          tpu.vector_store %arg6[%parallel_loop3A_241, %parallel_loop3A_242], %parallel_loop3A_230 {strides = array<i32>} : memref<2x4096xf32, #tpu.memory_space<vmem>>, vector<16xf32>,
          %parallel_loop3A_244 = arith.constant 32 : i32
          %parallel_loop3A_245 = arith.muli %parallel_loop3A_219, %parallel_loop3A_244 : i32
          %parallel_loop3A_246 = arith.constant 16 : i32
          %parallel_loop3A_247 = arith.addi %parallel_loop3A_245, %parallel_loop3A_246 : i32
          %parallel_loop3A_248 = arith.constant 0 : i32
          %parallel_loop3A_249 = arith.index_cast %parallel_loop3A_248 : i32 to index
          %parallel_loop3A_250 = arith.index_cast %parallel_loop3A_247 : i32 to index
          %parallel_loop3A_251 = tpu.vector_load %arg6[%parallel_loop3A_249, %parallel_loop3A_250] {strides = array<i32>} : memref<2x4096xf32, #tpu.memory_space<vmem>>, vector<16xf32>,
          tpu.vector_store %arg6[%parallel_loop3A_249, %parallel_loop3A_250], %parallel_loop3A_237 {strides = array<i32>} : memref<2x4096xf32, #tpu.memory_space<vmem>>, vector<16xf32>,
        } {sc.loop_unroll_factor = 8 : i64, sc.parallel_access}
      } else {
      }
      %eq3A_201 = arith.constant 1 : i32
      %eq3A_202 = arith.cmpi eq, %rem3A_121, %eq3A_201 : i32
      %convert_element_type3A_203 = arith.extui %eq3A_202 : i1 to i32
      %cond3A_204 = arith.constant 0 : i32
      %cond3A_205 = arith.cmpi ne, %convert_element_type3A_203, %cond3A_204 : i32
      scf.if %cond3A_205 {
        %parallel_loop3A = arith.constant 0 : i32
        %parallel_loop3A_217 = arith.constant 128 : i32
        %parallel_loop3A_218 = arith.constant 1 : i32
        scf.for %parallel_loop3A_219 = %parallel_loop3A to %parallel_loop3A_217 step %parallel_loop3A_218  : i32 {
          %parallel_loop3A_220 = arith.constant 0 : i32
          %parallel_loop3A_221 = vector.broadcast %parallel_loop3A_220 : i32 to vector<16xi32>
          %parallel_loop3A_222 = vector.broadcast %parallel_loop3A_219 : i32 to vector<16xi32>
          %parallel_loop3A_223 = arith.addi %parallel_loop3A_221, %parallel_loop3A_222 : vector<16xi32>
          %parallel_loop3A_224 = arith.constant 1 : i32
          %parallel_loop3A_225 = arith.constant 0 : i32
          %parallel_loop3A_226 = arith.constant 0 : i32
          %parallel_loop3A_227 = arith.constant 0 : i32
          %parallel_loop3A_228 = tpu.memref_slice %arg5[%parallel_loop3A_224, %parallel_loop3A_225, %parallel_loop3A_226, %parallel_loop3A_227] : memref<2x4x8x129xf32, #tpu.memory_space<vmem>> -> memref<1x4x8x129xf32, #tpu.memory_space<vmem>>
          %parallel_loop3A_229 = tpu.memref_squeeze %parallel_loop3A_228 : memref<1x4x8x129xf32, #tpu.memory_space<vmem>> -> memref<4x8x129xf32, #tpu.memory_space<vmem>>
          %parallel_loop3A_230 = tpu.vector_load_idx %parallel_loop3A_229[%shift_right_arithmetic3A_10, %and3A_12, %parallel_loop3A_223] : memref<4x8x129xf32, #tpu.memory_space<vmem>>[vector<16xi32>, vector<16xi32>, vector<16xi32>], vector<16xf32>,
          %parallel_loop3A_231 = arith.constant 1 : i32
          %parallel_loop3A_232 = arith.constant 0 : i32
          %parallel_loop3A_233 = arith.constant 0 : i32
          %parallel_loop3A_234 = arith.constant 0 : i32
          %parallel_loop3A_235 = tpu.memref_slice %arg5[%parallel_loop3A_231, %parallel_loop3A_232, %parallel_loop3A_233, %parallel_loop3A_234] : memref<2x4x8x129xf32, #tpu.memory_space<vmem>> -> memref<1x4x8x129xf32, #tpu.memory_space<vmem>>
          %parallel_loop3A_236 = tpu.memref_squeeze %parallel_loop3A_235 : memref<1x4x8x129xf32, #tpu.memory_space<vmem>> -> memref<4x8x129xf32, #tpu.memory_space<vmem>>
          %parallel_loop3A_237 = tpu.vector_load_idx %parallel_loop3A_236[%shift_right_arithmetic3A_18, %and3A_24, %parallel_loop3A_223] : memref<4x8x129xf32, #tpu.memory_space<vmem>>[vector<16xi32>, vector<16xi32>, vector<16xi32>], vector<16xf32>,
          %parallel_loop3A_238 = arith.constant 32 : i32
          %parallel_loop3A_239 = arith.muli %parallel_loop3A_219, %parallel_loop3A_238 : i32
          %parallel_loop3A_240 = arith.constant 1 : i32
          %parallel_loop3A_241 = arith.index_cast %parallel_loop3A_240 : i32 to index
          %parallel_loop3A_242 = arith.index_cast %parallel_loop3A_239 : i32 to index
          %parallel_loop3A_243 = tpu.vector_load %arg6[%parallel_loop3A_241, %parallel_loop3A_242] {strides = array<i32>} : memref<2x4096xf32, #tpu.memory_space<vmem>>, vector<16xf32>,
          tpu.vector_store %arg6[%parallel_loop3A_241, %parallel_loop3A_242], %parallel_loop3A_230 {strides = array<i32>} : memref<2x4096xf32, #tpu.memory_space<vmem>>, vector<16xf32>,
          %parallel_loop3A_244 = arith.constant 32 : i32
          %parallel_loop3A_245 = arith.muli %parallel_loop3A_219, %parallel_loop3A_244 : i32
          %parallel_loop3A_246 = arith.constant 16 : i32
          %parallel_loop3A_247 = arith.addi %parallel_loop3A_245, %parallel_loop3A_246 : i32
          %parallel_loop3A_248 = arith.constant 1 : i32
          %parallel_loop3A_249 = arith.index_cast %parallel_loop3A_248 : i32 to index
          %parallel_loop3A_250 = arith.index_cast %parallel_loop3A_247 : i32 to index
          %parallel_loop3A_251 = tpu.vector_load %arg6[%parallel_loop3A_249, %parallel_loop3A_250] {strides = array<i32>} : memref<2x4096xf32, #tpu.memory_space<vmem>>, vector<16xf32>,
          tpu.vector_store %arg6[%parallel_loop3A_249, %parallel_loop3A_250], %parallel_loop3A_237 {strides = array<i32>} : memref<2x4096xf32, #tpu.memory_space<vmem>>, vector<16xf32>,
        } {sc.loop_unroll_factor = 8 : i64, sc.parallel_access}
      } else {
      }
      %add3A_206 = arith.addi %add3A_4, %while3A_120 : i32
      %mul3A_207 = arith.constant 4096 : i32
      %mul3A_208 = arith.muli %add3A_206, %mul3A_207 : i32
      %dma_start3A_209 = arith.constant 0 : i32
      %dma_start3A_210 = tpu.memref_slice %arg6[%rem3A_121, %dma_start3A_209] : memref<2x4096xf32, #tpu.memory_space<vmem>> -> memref<1x4096xf32, #tpu.memory_space<vmem>>
      %dma_start3A_211 = tpu.memref_squeeze %dma_start3A_210 : memref<1x4096xf32, #tpu.memory_space<vmem>> -> memref<4096xf32, #tpu.memory_space<vmem>>
      %dma_start3A_212 = tpu.memref_slice %arg4[%mul3A_208] : memref<32000000xf32, #tpu.memory_space<hbm>> -> memref<4096xf32, #tpu.memory_space<hbm>>
      %dma_start3A_213 = tpu.memref_slice %arg4[%mul3A_208] : memref<32000000xf32, #tpu.memory_space<hbm>> -> memref<4096xf32, #tpu.memory_space<hbm>>
      %dma_start3A_214 = arith.constant 0 : i32
      %dma_start3A_215 = tpu.memref_slice %arg6[%rem3A_121, %dma_start3A_214] : memref<2x4096xf32, #tpu.memory_space<vmem>> -> memref<1x4096xf32, #tpu.memory_space<vmem>>
      %dma_start3A_216 = tpu.memref_squeeze %dma_start3A_215 : memref<1x4096xf32, #tpu.memory_space<vmem>> -> memref<4096xf32, #tpu.memory_space<vmem>>
      tpu.enqueue_dma source(%dma_start3A_216 : memref<4096xf32, #tpu.memory_space<vmem>>) target(%dma_start3A_213 : memref<4096xf32, #tpu.memory_space<hbm>>) target_semaphore(%arg9 : memref<!tpu.dma_semaphore, #tpu.memory_space<semaphore_mem>>)
    }
    %dma_wait3A = arith.constant 0 : i32
    %dma_wait3A_97 = arith.constant 0 : i32
    %dma_wait3A_98 = tpu.memref_slice %arg6[%dma_wait3A, %dma_wait3A_97] : memref<2x4096xf32, #tpu.memory_space<vmem>> -> memref<1x4096xf32, #tpu.memory_space<vmem>>
    %dma_wait3A_99 = tpu.memref_squeeze %dma_wait3A_98 : memref<1x4096xf32, #tpu.memory_space<vmem>> -> memref<4096xf32, #tpu.memory_space<vmem>>
    %dma_wait3A_100 = arith.constant 0 : i32
    %dma_wait3A_101 = tpu.memref_slice %arg4[%dma_wait3A_100] : memref<32000000xf32, #tpu.memory_space<hbm>> -> memref<4096xf32, #tpu.memory_space<hbm>>
    %dma_wait3A_102 = arith.constant 0 : i32
    %dma_wait3A_103 = tpu.memref_slice %arg4[%dma_wait3A_102] : memref<32000000xf32, #tpu.memory_space<hbm>> -> memref<4096xf32, #tpu.memory_space<hbm>>
    %dma_wait3A_104 = arith.constant 0 : i32
    %dma_wait3A_105 = tpu.memref_slice %arg6[%dma_wait3A, %dma_wait3A_104] : memref<2x4096xf32, #tpu.memory_space<vmem>> -> memref<1x4096xf32, #tpu.memory_space<vmem>>
    %dma_wait3A_106 = tpu.memref_squeeze %dma_wait3A_105 : memref<1x4096xf32, #tpu.memory_space<vmem>> -> memref<4096xf32, #tpu.memory_space<vmem>>
    tpu.wait_dma2 semaphore(%arg9 : memref<!tpu.dma_semaphore, #tpu.memory_space<semaphore_mem>>) src(%dma_wait3A_106 : memref<4096xf32, #tpu.memory_space<vmem>>) dst(%dma_wait3A_103 : memref<4096xf32, #tpu.memory_space<hbm>>)
    %dma_wait3A_107 = arith.constant 0 : i32
    %dma_wait3A_108 = arith.constant 0 : i32
    %dma_wait3A_109 = tpu.memref_slice %arg6[%dma_wait3A_107, %dma_wait3A_108] : memref<2x4096xf32, #tpu.memory_space<vmem>> -> memref<1x4096xf32, #tpu.memory_space<vmem>>
    %dma_wait3A_110 = tpu.memref_squeeze %dma_wait3A_109 : memref<1x4096xf32, #tpu.memory_space<vmem>> -> memref<4096xf32, #tpu.memory_space<vmem>>
    %dma_wait3A_111 = arith.constant 0 : i32
    %dma_wait3A_112 = tpu.memref_slice %arg4[%dma_wait3A_111] : memref<32000000xf32, #tpu.memory_space<hbm>> -> memref<4096xf32, #tpu.memory_space<hbm>>
    %dma_wait3A_113 = arith.constant 0 : i32
    %dma_wait3A_114 = tpu.memref_slice %arg4[%dma_wait3A_113] : memref<32000000xf32, #tpu.memory_space<hbm>> -> memref<4096xf32, #tpu.memory_space<hbm>>
    %dma_wait3A_115 = arith.constant 0 : i32
    %dma_wait3A_116 = tpu.memref_slice %arg6[%dma_wait3A_107, %dma_wait3A_115] : memref<2x4096xf32, #tpu.memory_space<vmem>> -> memref<1x4096xf32, #tpu.memory_space<vmem>>
    %dma_wait3A_117 = tpu.memref_squeeze %dma_wait3A_116 : memref<1x4096xf32, #tpu.memory_space<vmem>> -> memref<4096xf32, #tpu.memory_space<vmem>>
    tpu.wait_dma2 semaphore(%arg9 : memref<!tpu.dma_semaphore, #tpu.memory_space<semaphore_mem>>) src(%dma_wait3A_117 : memref<4096xf32, #tpu.memory_space<vmem>>) dst(%dma_wait3A_114 : memref<4096xf32, #tpu.memory_space<hbm>>)
    %eq3A = arith.constant 0 : i32
    %eq3A_118 = arith.cmpi eq, %add3A, %eq3A : i32
    %convert_element_type3A = arith.extui %eq3A_118 : i1 to i32
    %cond3A = arith.constant 0 : i32
    %cond3A_119 = arith.cmpi ne, %convert_element_type3A, %cond3A : i32
    scf.if %cond3A_119 {
      "tpu.region"() ({
        %run_scoped3A = tpu.sem_alloc : memref<!tpu.dma_semaphore, #tpu.memory_space<semaphore_mem>>
        tpu.enqueue_dma source(%arg3 : memref<2048xf32, #tpu.memory_space<hbm>>) target(%arg7 : memref<2048xf32, #tpu.memory_space<vmem>>) target_semaphore(%run_scoped3A : memref<!tpu.dma_semaphore, #tpu.memory_space<semaphore_mem>>)
        tpu.wait_dma2 semaphore(%run_scoped3A : memref<!tpu.dma_semaphore, #tpu.memory_space<semaphore_mem>>) src(%arg3 : memref<2048xf32, #tpu.memory_space<hbm>>) dst(%arg7 : memref<2048xf32, #tpu.memory_space<vmem>>)
        tpu.yield
      }) : () -> ()
      "tpu.region"() ({
        %run_scoped3A = tpu.sem_alloc : memref<!tpu.dma_semaphore, #tpu.memory_space<semaphore_mem>>
        %dma_start3A_120 = arith.constant 31997952 : i32
        %dma_start3A_121 = tpu.memref_slice %arg4[%dma_start3A_120] : memref<32000000xf32, #tpu.memory_space<hbm>> -> memref<2048xf32, #tpu.memory_space<hbm>>
        %dma_start3A_122 = arith.constant 31997952 : i32
        %dma_start3A_123 = tpu.memref_slice %arg4[%dma_start3A_122] : memref<32000000xf32, #tpu.memory_space<hbm>> -> memref<2048xf32, #tpu.memory_space<hbm>>
        tpu.enqueue_dma source(%arg7 : memref<2048xf32, #tpu.memory_space<vmem>>) target(%dma_start3A_123 : memref<2048xf32, #tpu.memory_space<hbm>>) target_semaphore(%run_scoped3A : memref<!tpu.dma_semaphore, #tpu.memory_space<semaphore_mem>>)
        %dma_wait3A_124 = arith.constant 31997952 : i32
        %dma_wait3A_125 = tpu.memref_slice %arg4[%dma_wait3A_124] : memref<32000000xf32, #tpu.memory_space<hbm>> -> memref<2048xf32, #tpu.memory_space<hbm>>
        %dma_wait3A_126 = arith.constant 31997952 : i32
        %dma_wait3A_127 = tpu.memref_slice %arg4[%dma_wait3A_126] : memref<32000000xf32, #tpu.memory_space<hbm>> -> memref<2048xf32, #tpu.memory_space<hbm>>
        tpu.wait_dma2 semaphore(%run_scoped3A : memref<!tpu.dma_semaphore, #tpu.memory_space<semaphore_mem>>) src(%arg7 : memref<2048xf32, #tpu.memory_space<vmem>>) dst(%dma_wait3A_127 : memref<2048xf32, #tpu.memory_space<hbm>>)
        tpu.yield
      }) : () -> ()
    } else {
    }
    return
  }
}

#map = affine_map<(d0, d1) -> (0, 0)>
module attributes {stable_mosaic.version = 14 : i64} {
  func.func @_gather_body(%arg0: i32, %arg1: i32, %arg2: memref<1600x128xi32, #tpu.memory_space<hbm>>, %arg3: memref<1000000x32xf32, #tpu.memory_space<hbm>>, %arg4: memref<200x32xf32, #tpu.memory_space<hbm>>, %arg5: memref<204800x32xf32, #tpu.memory_space<hbm>>, %arg6: memref<50x128xi32, #tpu.memory_space<vmem>>, %arg7: memref<400x32xf32, #tpu.memory_space<vmem>>, %arg8: memref<6x128x32xf32, #tpu.memory_space<vmem>>, %arg9: memref<!tpu.dma_semaphore, #tpu.memory_space<semaphore_mem>>, %arg10: memref<!tpu.dma_semaphore, #tpu.memory_space<semaphore_mem>>) attributes {dimension_semantics = [#tpu.dimension_semantics<core_parallel>, #tpu.dimension_semantics<subcore_parallel>], iteration_bounds = array<i64: 2, 16>, scalar_prefetch = 0 : i64, scratch_operands = 5 : i64, tpu.core_type = #tpu.core_type<sc_vector_subcore>, window_params = [{transform_indices = #map}, {transform_indices = #map}, {transform_indices = #map}, {transform_indices = #map}]} {
    %mul3A = arith.constant 2 : i32
    %mul3A_0 = arith.muli %arg1, %mul3A : i32
    %add3A = arith.addi %mul3A_0, %arg0 : i32
    %mul3A_1 = arith.constant 6400 : i32
    %mul3A_2 = arith.muli %add3A, %mul3A_1 : i32
    %mul3A_3 = arith.constant 50 : i32
    %mul3A_4 = arith.muli %add3A, %mul3A_3 : i32
    "tpu.region"() ({
      %run_scoped3A = tpu.sem_alloc : memref<!tpu.dma_semaphore, #tpu.memory_space<semaphore_mem>>
      %dma_start3A_82 = arith.constant 0 : i32
      %dma_start3A_83 = tpu.memref_slice %arg2[%mul3A_4, %dma_start3A_82] : memref<1600x128xi32, #tpu.memory_space<hbm>> -> memref<50x128xi32, #tpu.memory_space<hbm>>
      %dma_start3A_84 = arith.constant 0 : i32
      %dma_start3A_85 = tpu.memref_slice %arg2[%mul3A_4, %dma_start3A_84] : memref<1600x128xi32, #tpu.memory_space<hbm>> -> memref<50x128xi32, #tpu.memory_space<hbm>>
      tpu.enqueue_dma source(%dma_start3A_85 : memref<50x128xi32, #tpu.memory_space<hbm>>) target(%arg6 : memref<50x128xi32, #tpu.memory_space<vmem>>) target_semaphore(%run_scoped3A : memref<!tpu.dma_semaphore, #tpu.memory_space<semaphore_mem>>)
      %dma_wait3A_86 = arith.constant 0 : i32
      %dma_wait3A_87 = tpu.memref_slice %arg2[%mul3A_4, %dma_wait3A_86] : memref<1600x128xi32, #tpu.memory_space<hbm>> -> memref<50x128xi32, #tpu.memory_space<hbm>>
      %dma_wait3A_88 = arith.constant 0 : i32
      %dma_wait3A_89 = tpu.memref_slice %arg2[%mul3A_4, %dma_wait3A_88] : memref<1600x128xi32, #tpu.memory_space<hbm>> -> memref<50x128xi32, #tpu.memory_space<hbm>>
      tpu.wait_dma2 semaphore(%run_scoped3A : memref<!tpu.dma_semaphore, #tpu.memory_space<semaphore_mem>>) src(%dma_wait3A_89 : memref<50x128xi32, #tpu.memory_space<hbm>>) dst(%arg6 : memref<50x128xi32, #tpu.memory_space<vmem>>)
      tpu.yield
    }) : () -> ()
    "tpu.region"() ({
      %run_scoped3A = tpu.sem_alloc : memref<!tpu.dma_semaphore, #tpu.memory_space<semaphore_mem>>
      %dma_start3A_82 = arith.constant 0 : i32
      %dma_start3A_83 = arith.constant 0 : i32
      %dma_start3A_84 = tpu.memref_slice %arg7[%dma_start3A_82, %dma_start3A_83] : memref<400x32xf32, #tpu.memory_space<vmem>> -> memref<200x32xf32, #tpu.memory_space<vmem>>
      %dma_start3A_85 = arith.constant 0 : i32
      %dma_start3A_86 = arith.constant 0 : i32
      %dma_start3A_87 = tpu.memref_slice %arg7[%dma_start3A_85, %dma_start3A_86] : memref<400x32xf32, #tpu.memory_space<vmem>> -> memref<200x32xf32, #tpu.memory_space<vmem>>
      tpu.enqueue_dma source(%arg4 : memref<200x32xf32, #tpu.memory_space<hbm>>) target(%dma_start3A_87 : memref<200x32xf32, #tpu.memory_space<vmem>>) target_semaphore(%run_scoped3A : memref<!tpu.dma_semaphore, #tpu.memory_space<semaphore_mem>>)
      %dma_wait3A_88 = arith.constant 0 : i32
      %dma_wait3A_89 = arith.constant 0 : i32
      %dma_wait3A_90 = tpu.memref_slice %arg7[%dma_wait3A_88, %dma_wait3A_89] : memref<400x32xf32, #tpu.memory_space<vmem>> -> memref<200x32xf32, #tpu.memory_space<vmem>>
      %dma_wait3A_91 = arith.constant 0 : i32
      %dma_wait3A_92 = arith.constant 0 : i32
      %dma_wait3A_93 = tpu.memref_slice %arg7[%dma_wait3A_91, %dma_wait3A_92] : memref<400x32xf32, #tpu.memory_space<vmem>> -> memref<200x32xf32, #tpu.memory_space<vmem>>
      tpu.wait_dma2 semaphore(%run_scoped3A : memref<!tpu.dma_semaphore, #tpu.memory_space<semaphore_mem>>) src(%arg4 : memref<200x32xf32, #tpu.memory_space<hbm>>) dst(%dma_wait3A_93 : memref<200x32xf32, #tpu.memory_space<vmem>>)
      tpu.yield
    }) : () -> ()
    "tpu.region"() ({
      %run_scoped3A = tpu.sem_alloc : memref<!tpu.dma_semaphore, #tpu.memory_space<semaphore_mem>>
      %dma_start3A_82 = arith.constant 200 : i32
      %dma_start3A_83 = arith.constant 0 : i32
      %dma_start3A_84 = tpu.memref_slice %arg7[%dma_start3A_82, %dma_start3A_83] : memref<400x32xf32, #tpu.memory_space<vmem>> -> memref<200x32xf32, #tpu.memory_space<vmem>>
      %dma_start3A_85 = arith.constant 200 : i32
      %dma_start3A_86 = arith.constant 0 : i32
      %dma_start3A_87 = tpu.memref_slice %arg7[%dma_start3A_85, %dma_start3A_86] : memref<400x32xf32, #tpu.memory_space<vmem>> -> memref<200x32xf32, #tpu.memory_space<vmem>>
      tpu.enqueue_dma source(%arg4 : memref<200x32xf32, #tpu.memory_space<hbm>>) target(%dma_start3A_87 : memref<200x32xf32, #tpu.memory_space<vmem>>) target_semaphore(%run_scoped3A : memref<!tpu.dma_semaphore, #tpu.memory_space<semaphore_mem>>)
      %dma_wait3A_88 = arith.constant 200 : i32
      %dma_wait3A_89 = arith.constant 0 : i32
      %dma_wait3A_90 = tpu.memref_slice %arg7[%dma_wait3A_88, %dma_wait3A_89] : memref<400x32xf32, #tpu.memory_space<vmem>> -> memref<200x32xf32, #tpu.memory_space<vmem>>
      %dma_wait3A_91 = arith.constant 200 : i32
      %dma_wait3A_92 = arith.constant 0 : i32
      %dma_wait3A_93 = tpu.memref_slice %arg7[%dma_wait3A_91, %dma_wait3A_92] : memref<400x32xf32, #tpu.memory_space<vmem>> -> memref<200x32xf32, #tpu.memory_space<vmem>>
      tpu.wait_dma2 semaphore(%run_scoped3A : memref<!tpu.dma_semaphore, #tpu.memory_space<semaphore_mem>>) src(%arg4 : memref<200x32xf32, #tpu.memory_space<hbm>>) dst(%dma_wait3A_93 : memref<200x32xf32, #tpu.memory_space<vmem>>)
      tpu.yield
    }) : () -> ()
    %dma_start3A = arith.constant 0 : i32
    %dma_start3A_5 = arith.constant 0 : i32
    %dma_start3A_6 = arith.constant 0 : i32
    %dma_start3A_7 = arith.constant 0 : i32
    %dma_start3A_8 = tpu.memref_slice %arg8[%dma_start3A_5, %dma_start3A_6, %dma_start3A_7] : memref<6x128x32xf32, #tpu.memory_space<vmem>> -> memref<1x128x32xf32, #tpu.memory_space<vmem>>
    %dma_start3A_9 = tpu.memref_squeeze %dma_start3A_8 : memref<1x128x32xf32, #tpu.memory_space<vmem>> -> memref<128x32xf32, #tpu.memory_space<vmem>>
    %dma_start3A_10 = arith.constant 0 : i32
    %dma_start3A_11 = tpu.memref_slice %arg6[%dma_start3A, %dma_start3A_10] : memref<50x128xi32, #tpu.memory_space<vmem>> -> memref<1x128xi32, #tpu.memory_space<vmem>>
    %dma_start3A_12 = tpu.memref_squeeze %dma_start3A_11 : memref<1x128xi32, #tpu.memory_space<vmem>> -> memref<128xi32, #tpu.memory_space<vmem>>
    %dma_start3A_13 = arith.constant 0 : i32
    %dma_start3A_14 = arith.constant 0 : i32
    %dma_start3A_15 = tpu.memref_slice %arg3[%dma_start3A_13, %dma_start3A_14] : memref<1000000x32xf32, #tpu.memory_space<hbm>> -> memref<1000000x32xf32, #tpu.memory_space<hbm>>
    tpu.enqueue_indirect_dma source(%dma_start3A_15 : memref<1000000x32xf32, #tpu.memory_space<hbm>>) target(%dma_start3A_9 : memref<128x32xf32, #tpu.memory_space<vmem>>) offsets(%dma_start3A_12 : memref<128xi32, #tpu.memory_space<vmem>>) semaphore(%arg9 : memref<!tpu.dma_semaphore, #tpu.memory_space<semaphore_mem>>)
    %dma_start3A_16 = arith.constant 1 : i32
    %dma_start3A_17 = arith.constant 1 : i32
    %dma_start3A_18 = arith.constant 0 : i32
    %dma_start3A_19 = arith.constant 0 : i32
    %dma_start3A_20 = tpu.memref_slice %arg8[%dma_start3A_17, %dma_start3A_18, %dma_start3A_19] : memref<6x128x32xf32, #tpu.memory_space<vmem>> -> memref<1x128x32xf32, #tpu.memory_space<vmem>>
    %dma_start3A_21 = tpu.memref_squeeze %dma_start3A_20 : memref<1x128x32xf32, #tpu.memory_space<vmem>> -> memref<128x32xf32, #tpu.memory_space<vmem>>
    %dma_start3A_22 = arith.constant 0 : i32
    %dma_start3A_23 = tpu.memref_slice %arg6[%dma_start3A_16, %dma_start3A_22] : memref<50x128xi32, #tpu.memory_space<vmem>> -> memref<1x128xi32, #tpu.memory_space<vmem>>
    %dma_start3A_24 = tpu.memref_squeeze %dma_start3A_23 : memref<1x128xi32, #tpu.memory_space<vmem>> -> memref<128xi32, #tpu.memory_space<vmem>>
    %dma_start3A_25 = arith.constant 0 : i32
    %dma_start3A_26 = arith.constant 0 : i32
    %dma_start3A_27 = tpu.memref_slice %arg3[%dma_start3A_25, %dma_start3A_26] : memref<1000000x32xf32, #tpu.memory_space<hbm>> -> memref<1000000x32xf32, #tpu.memory_space<hbm>>
    tpu.enqueue_indirect_dma source(%dma_start3A_27 : memref<1000000x32xf32, #tpu.memory_space<hbm>>) target(%dma_start3A_21 : memref<128x32xf32, #tpu.memory_space<vmem>>) offsets(%dma_start3A_24 : memref<128xi32, #tpu.memory_space<vmem>>) semaphore(%arg9 : memref<!tpu.dma_semaphore, #tpu.memory_space<semaphore_mem>>)
    %dma_start3A_28 = arith.constant 2 : i32
    %dma_start3A_29 = arith.constant 2 : i32
    %dma_start3A_30 = arith.constant 0 : i32
    %dma_start3A_31 = arith.constant 0 : i32
    %dma_start3A_32 = tpu.memref_slice %arg8[%dma_start3A_29, %dma_start3A_30, %dma_start3A_31] : memref<6x128x32xf32, #tpu.memory_space<vmem>> -> memref<1x128x32xf32, #tpu.memory_space<vmem>>
    %dma_start3A_33 = tpu.memref_squeeze %dma_start3A_32 : memref<1x128x32xf32, #tpu.memory_space<vmem>> -> memref<128x32xf32, #tpu.memory_space<vmem>>
    %dma_start3A_34 = arith.constant 0 : i32
    %dma_start3A_35 = tpu.memref_slice %arg6[%dma_start3A_28, %dma_start3A_34] : memref<50x128xi32, #tpu.memory_space<vmem>> -> memref<1x128xi32, #tpu.memory_space<vmem>>
    %dma_start3A_36 = tpu.memref_squeeze %dma_start3A_35 : memref<1x128xi32, #tpu.memory_space<vmem>> -> memref<128xi32, #tpu.memory_space<vmem>>
    %dma_start3A_37 = arith.constant 0 : i32
    %dma_start3A_38 = arith.constant 0 : i32
    %dma_start3A_39 = tpu.memref_slice %arg3[%dma_start3A_37, %dma_start3A_38] : memref<1000000x32xf32, #tpu.memory_space<hbm>> -> memref<1000000x32xf32, #tpu.memory_space<hbm>>
    tpu.enqueue_indirect_dma source(%dma_start3A_39 : memref<1000000x32xf32, #tpu.memory_space<hbm>>) target(%dma_start3A_33 : memref<128x32xf32, #tpu.memory_space<vmem>>) offsets(%dma_start3A_36 : memref<128xi32, #tpu.memory_space<vmem>>) semaphore(%arg9 : memref<!tpu.dma_semaphore, #tpu.memory_space<semaphore_mem>>)
    %dma_start3A_40 = arith.constant 3 : i32
    %dma_start3A_41 = arith.constant 3 : i32
    %dma_start3A_42 = arith.constant 0 : i32
    %dma_start3A_43 = arith.constant 0 : i32
    %dma_start3A_44 = tpu.memref_slice %arg8[%dma_start3A_41, %dma_start3A_42, %dma_start3A_43] : memref<6x128x32xf32, #tpu.memory_space<vmem>> -> memref<1x128x32xf32, #tpu.memory_space<vmem>>
    %dma_start3A_45 = tpu.memref_squeeze %dma_start3A_44 : memref<1x128x32xf32, #tpu.memory_space<vmem>> -> memref<128x32xf32, #tpu.memory_space<vmem>>
    %dma_start3A_46 = arith.constant 0 : i32
    %dma_start3A_47 = tpu.memref_slice %arg6[%dma_start3A_40, %dma_start3A_46] : memref<50x128xi32, #tpu.memory_space<vmem>> -> memref<1x128xi32, #tpu.memory_space<vmem>>
    %dma_start3A_48 = tpu.memref_squeeze %dma_start3A_47 : memref<1x128xi32, #tpu.memory_space<vmem>> -> memref<128xi32, #tpu.memory_space<vmem>>
    %dma_start3A_49 = arith.constant 0 : i32
    %dma_start3A_50 = arith.constant 0 : i32
    %dma_start3A_51 = tpu.memref_slice %arg3[%dma_start3A_49, %dma_start3A_50] : memref<1000000x32xf32, #tpu.memory_space<hbm>> -> memref<1000000x32xf32, #tpu.memory_space<hbm>>
    tpu.enqueue_indirect_dma source(%dma_start3A_51 : memref<1000000x32xf32, #tpu.memory_space<hbm>>) target(%dma_start3A_45 : memref<128x32xf32, #tpu.memory_space<vmem>>) offsets(%dma_start3A_48 : memref<128xi32, #tpu.memory_space<vmem>>) semaphore(%arg9 : memref<!tpu.dma_semaphore, #tpu.memory_space<semaphore_mem>>)
    %scan3A = arith.constant 0 : i32
    %scan3A_52 = arith.constant 0 : i32
    %scan3A_53 = arith.constant 50 : i32
    %scan3A_54 = arith.addi %scan3A_52, %scan3A_53 : i32
    %scan3A_55 = arith.constant 1 : i32
    scf.for %scan3A_82 = %scan3A_52 to %scan3A_54 step %scan3A_55  : i32 {
      %rem3A = arith.constant 6 : i32
      %rem3A_83 = arith.remsi %scan3A_82, %rem3A : i32
      %dma_wait3A_84 = arith.constant 0 : i32
      %dma_wait3A_85 = arith.constant 0 : i32
      %dma_wait3A_86 = arith.constant 0 : i32
      %dma_wait3A_87 = arith.constant 0 : i32
      %dma_wait3A_88 = tpu.memref_slice %arg8[%dma_wait3A_85, %dma_wait3A_86, %dma_wait3A_87] : memref<6x128x32xf32, #tpu.memory_space<vmem>> -> memref<1x128x32xf32, #tpu.memory_space<vmem>>
      %dma_wait3A_89 = tpu.memref_squeeze %dma_wait3A_88 : memref<1x128x32xf32, #tpu.memory_space<vmem>> -> memref<128x32xf32, #tpu.memory_space<vmem>>
      %dma_wait3A_90 = arith.constant 0 : i32
      %dma_wait3A_91 = tpu.memref_slice %arg6[%dma_wait3A_84, %dma_wait3A_90] : memref<50x128xi32, #tpu.memory_space<vmem>> -> memref<1x128xi32, #tpu.memory_space<vmem>>
      %dma_wait3A_92 = tpu.memref_squeeze %dma_wait3A_91 : memref<1x128xi32, #tpu.memory_space<vmem>> -> memref<128xi32, #tpu.memory_space<vmem>>
      %dma_wait3A_93 = arith.constant 0 : i32
      %dma_wait3A_94 = arith.constant 0 : i32
      %dma_wait3A_95 = tpu.memref_slice %arg3[%dma_wait3A_93, %dma_wait3A_94] : memref<1000000x32xf32, #tpu.memory_space<hbm>> -> memref<1000000x32xf32, #tpu.memory_space<hbm>>
      tpu.wait_indirect_dma semaphore(%arg9 : memref<!tpu.dma_semaphore, #tpu.memory_space<semaphore_mem>>) src(%dma_wait3A_95 : memref<1000000x32xf32, #tpu.memory_space<hbm>>) dst(%dma_wait3A_89 : memref<128x32xf32, #tpu.memory_space<vmem>>)
      %mul3A_96 = arith.constant 128 : i32
      %mul3A_97 = arith.muli %scan3A_82, %mul3A_96 : i32
      %rem3A_98 = arith.constant 200 : i32
      %rem3A_99 = arith.remsi %mul3A_97, %rem3A_98 : i32
      %scan3A_100 = arith.constant 0 : i32
      %scan3A_101 = arith.constant 0 : i32
      %scan3A_102 = arith.constant 128 : i32
      %scan3A_103 = arith.addi %scan3A_101, %scan3A_102 : i32
      %scan3A_104 = arith.constant 4 : i32
      scf.for %scan3A_129 = %scan3A_101 to %scan3A_103 step %scan3A_104  : i32 {
        %add3A_130 = arith.addi %rem3A_99, %scan3A_129 : i32
        %get3A = arith.index_cast %add3A_130 : i32 to index
        %get3A_131 = arith.constant 0 : index
        %get3A_132 = tpu.vector_load %arg7[%get3A, %get3A_131] {strides = array<i32>} : memref<400x32xf32, #tpu.memory_space<vmem>>, vector<1x16xf32>,
        %get3A_133 = vector.shape_cast %get3A_132 : vector<1x16xf32> to vector<16xf32>
        %swap3A = arith.index_cast %rem3A_83 : i32 to index
        %swap3A_134 = arith.index_cast %scan3A_129 : i32 to index
        %swap3A_135 = arith.constant 0 : index
        %swap3A_136 = tpu.vector_load %arg8[%swap3A, %swap3A_134, %swap3A_135] {strides = array<i32>} : memref<6x128x32xf32, #tpu.memory_space<vmem>>, vector<1x1x16xf32>,
        %swap3A_137 = vector.shape_cast %swap3A_136 : vector<1x1x16xf32> to vector<16xf32>
        %swap3A_138 = vector.shape_cast %get3A_133 : vector<16xf32> to vector<1x1x16xf32>
        tpu.vector_store %arg8[%swap3A, %swap3A_134, %swap3A_135], %swap3A_138 {add = true, strides = array<i32>} : memref<6x128x32xf32, #tpu.memory_space<vmem>>, vector<1x1x16xf32>,
        %add3A_139 = arith.addi %rem3A_99, %scan3A_129 : i32
        %get3A_140 = arith.index_cast %add3A_139 : i32 to index
        %get3A_141 = arith.constant 16 : index
        %get3A_142 = tpu.vector_load %arg7[%get3A_140, %get3A_141] {strides = array<i32>} : memref<400x32xf32, #tpu.memory_space<vmem>>, vector<1x16xf32>,
        %get3A_143 = vector.shape_cast %get3A_142 : vector<1x16xf32> to vector<16xf32>
        %swap3A_144 = arith.index_cast %rem3A_83 : i32 to index
        %swap3A_145 = arith.index_cast %scan3A_129 : i32 to index
        %swap3A_146 = arith.constant 16 : index
        %swap3A_147 = tpu.vector_load %arg8[%swap3A_144, %swap3A_145, %swap3A_146] {strides = array<i32>} : memref<6x128x32xf32, #tpu.memory_space<vmem>>, vector<1x1x16xf32>,
        %swap3A_148 = vector.shape_cast %swap3A_147 : vector<1x1x16xf32> to vector<16xf32>
        %swap3A_149 = vector.shape_cast %get3A_143 : vector<16xf32> to vector<1x1x16xf32>
        tpu.vector_store %arg8[%swap3A_144, %swap3A_145, %swap3A_146], %swap3A_149 {add = true, strides = array<i32>} : memref<6x128x32xf32, #tpu.memory_space<vmem>>, vector<1x1x16xf32>,
        %scan3A_150 = arith.constant 1 : i32
        %scan3A_151 = arith.addi %scan3A_129, %scan3A_150 : i32
        %add3A_152 = arith.addi %rem3A_99, %scan3A_151 : i32
        %get3A_153 = arith.index_cast %add3A_152 : i32 to index
        %get3A_154 = arith.constant 0 : index
        %get3A_155 = tpu.vector_load %arg7[%get3A_153, %get3A_154] {strides = array<i32>} : memref<400x32xf32, #tpu.memory_space<vmem>>, vector<1x16xf32>,
        %get3A_156 = vector.shape_cast %get3A_155 : vector<1x16xf32> to vector<16xf32>
        %swap3A_157 = arith.index_cast %rem3A_83 : i32 to index
        %swap3A_158 = arith.index_cast %scan3A_151 : i32 to index
        %swap3A_159 = arith.constant 0 : index
        %swap3A_160 = tpu.vector_load %arg8[%swap3A_157, %swap3A_158, %swap3A_159] {strides = array<i32>} : memref<6x128x32xf32, #tpu.memory_space<vmem>>, vector<1x1x16xf32>,
        %swap3A_161 = vector.shape_cast %swap3A_160 : vector<1x1x16xf32> to vector<16xf32>
        %swap3A_162 = vector.shape_cast %get3A_156 : vector<16xf32> to vector<1x1x16xf32>
        tpu.vector_store %arg8[%swap3A_157, %swap3A_158, %swap3A_159], %swap3A_162 {add = true, strides = array<i32>} : memref<6x128x32xf32, #tpu.memory_space<vmem>>, vector<1x1x16xf32>,
        %add3A_163 = arith.addi %rem3A_99, %scan3A_151 : i32
        %get3A_164 = arith.index_cast %add3A_163 : i32 to index
        %get3A_165 = arith.constant 16 : index
        %get3A_166 = tpu.vector_load %arg7[%get3A_164, %get3A_165] {strides = array<i32>} : memref<400x32xf32, #tpu.memory_space<vmem>>, vector<1x16xf32>,
        %get3A_167 = vector.shape_cast %get3A_166 : vector<1x16xf32> to vector<16xf32>
        %swap3A_168 = arith.index_cast %rem3A_83 : i32 to index
        %swap3A_169 = arith.index_cast %scan3A_151 : i32 to index
        %swap3A_170 = arith.constant 16 : index
        %swap3A_171 = tpu.vector_load %arg8[%swap3A_168, %swap3A_169, %swap3A_170] {strides = array<i32>} : memref<6x128x32xf32, #tpu.memory_space<vmem>>, vector<1x1x16xf32>,
        %swap3A_172 = vector.shape_cast %swap3A_171 : vector<1x1x16xf32> to vector<16xf32>
        %swap3A_173 = vector.shape_cast %get3A_167 : vector<16xf32> to vector<1x1x16xf32>
        tpu.vector_store %arg8[%swap3A_168, %swap3A_169, %swap3A_170], %swap3A_173 {add = true, strides = array<i32>} : memref<6x128x32xf32, #tpu.memory_space<vmem>>, vector<1x1x16xf32>,
        %scan3A_174 = arith.constant 2 : i32
        %scan3A_175 = arith.addi %scan3A_129, %scan3A_174 : i32
        %add3A_176 = arith.addi %rem3A_99, %scan3A_175 : i32
        %get3A_177 = arith.index_cast %add3A_176 : i32 to index
        %get3A_178 = arith.constant 0 : index
        %get3A_179 = tpu.vector_load %arg7[%get3A_177, %get3A_178] {strides = array<i32>} : memref<400x32xf32, #tpu.memory_space<vmem>>, vector<1x16xf32>,
        %get3A_180 = vector.shape_cast %get3A_179 : vector<1x16xf32> to vector<16xf32>
        %swap3A_181 = arith.index_cast %rem3A_83 : i32 to index
        %swap3A_182 = arith.index_cast %scan3A_175 : i32 to index
        %swap3A_183 = arith.constant 0 : index
        %swap3A_184 = tpu.vector_load %arg8[%swap3A_181, %swap3A_182, %swap3A_183] {strides = array<i32>} : memref<6x128x32xf32, #tpu.memory_space<vmem>>, vector<1x1x16xf32>,
        %swap3A_185 = vector.shape_cast %swap3A_184 : vector<1x1x16xf32> to vector<16xf32>
        %swap3A_186 = vector.shape_cast %get3A_180 : vector<16xf32> to vector<1x1x16xf32>
        tpu.vector_store %arg8[%swap3A_181, %swap3A_182, %swap3A_183], %swap3A_186 {add = true, strides = array<i32>} : memref<6x128x32xf32, #tpu.memory_space<vmem>>, vector<1x1x16xf32>,
        %add3A_187 = arith.addi %rem3A_99, %scan3A_175 : i32
        %get3A_188 = arith.index_cast %add3A_187 : i32 to index
        %get3A_189 = arith.constant 16 : index
        %get3A_190 = tpu.vector_load %arg7[%get3A_188, %get3A_189] {strides = array<i32>} : memref<400x32xf32, #tpu.memory_space<vmem>>, vector<1x16xf32>,
        %get3A_191 = vector.shape_cast %get3A_190 : vector<1x16xf32> to vector<16xf32>
        %swap3A_192 = arith.index_cast %rem3A_83 : i32 to index
        %swap3A_193 = arith.index_cast %scan3A_175 : i32 to index
        %swap3A_194 = arith.constant 16 : index
        %swap3A_195 = tpu.vector_load %arg8[%swap3A_192, %swap3A_193, %swap3A_194] {strides = array<i32>} : memref<6x128x32xf32, #tpu.memory_space<vmem>>, vector<1x1x16xf32>,
        %swap3A_196 = vector.shape_cast %swap3A_195 : vector<1x1x16xf32> to vector<16xf32>
        %swap3A_197 = vector.shape_cast %get3A_191 : vector<16xf32> to vector<1x1x16xf32>
        tpu.vector_store %arg8[%swap3A_192, %swap3A_193, %swap3A_194], %swap3A_197 {add = true, strides = array<i32>} : memref<6x128x32xf32, #tpu.memory_space<vmem>>, vector<1x1x16xf32>,
        %scan3A_198 = arith.constant 3 : i32
        %scan3A_199 = arith.addi %scan3A_129, %scan3A_198 : i32
        %add3A_200 = arith.addi %rem3A_99, %scan3A_199 : i32
        %get3A_201 = arith.index_cast %add3A_200 : i32 to index
        %get3A_202 = arith.constant 0 : index
        %get3A_203 = tpu.vector_load %arg7[%get3A_201, %get3A_202] {strides = array<i32>} : memref<400x32xf32, #tpu.memory_space<vmem>>, vector<1x16xf32>,
        %get3A_204 = vector.shape_cast %get3A_203 : vector<1x16xf32> to vector<16xf32>
        %swap3A_205 = arith.index_cast %rem3A_83 : i32 to index
        %swap3A_206 = arith.index_cast %scan3A_199 : i32 to index
        %swap3A_207 = arith.constant 0 : index
        %swap3A_208 = tpu.vector_load %arg8[%swap3A_205, %swap3A_206, %swap3A_207] {strides = array<i32>} : memref<6x128x32xf32, #tpu.memory_space<vmem>>, vector<1x1x16xf32>,
        %swap3A_209 = vector.shape_cast %swap3A_208 : vector<1x1x16xf32> to vector<16xf32>
        %swap3A_210 = vector.shape_cast %get3A_204 : vector<16xf32> to vector<1x1x16xf32>
        tpu.vector_store %arg8[%swap3A_205, %swap3A_206, %swap3A_207], %swap3A_210 {add = true, strides = array<i32>} : memref<6x128x32xf32, #tpu.memory_space<vmem>>, vector<1x1x16xf32>,
        %add3A_211 = arith.addi %rem3A_99, %scan3A_199 : i32
        %get3A_212 = arith.index_cast %add3A_211 : i32 to index
        %get3A_213 = arith.constant 16 : index
        %get3A_214 = tpu.vector_load %arg7[%get3A_212, %get3A_213] {strides = array<i32>} : memref<400x32xf32, #tpu.memory_space<vmem>>, vector<1x16xf32>,
        %get3A_215 = vector.shape_cast %get3A_214 : vector<1x16xf32> to vector<16xf32>
        %swap3A_216 = arith.index_cast %rem3A_83 : i32 to index
        %swap3A_217 = arith.index_cast %scan3A_199 : i32 to index
        %swap3A_218 = arith.constant 16 : index
        %swap3A_219 = tpu.vector_load %arg8[%swap3A_216, %swap3A_217, %swap3A_218] {strides = array<i32>} : memref<6x128x32xf32, #tpu.memory_space<vmem>>, vector<1x1x16xf32>,
        %swap3A_220 = vector.shape_cast %swap3A_219 : vector<1x1x16xf32> to vector<16xf32>
        %swap3A_221 = vector.shape_cast %get3A_215 : vector<16xf32> to vector<1x1x16xf32>
        tpu.vector_store %arg8[%swap3A_216, %swap3A_217, %swap3A_218], %swap3A_221 {add = true, strides = array<i32>} : memref<6x128x32xf32, #tpu.memory_space<vmem>>, vector<1x1x16xf32>,
      }
      %scan3A_105 = arith.constant 128 : i32
      %mul3A_106 = arith.constant 128 : i32
      %mul3A_107 = arith.muli %scan3A_82, %mul3A_106 : i32
      %add3A_108 = arith.addi %mul3A_2, %mul3A_107 : i32
      %dma_start3A_109 = arith.constant 0 : i32
      %dma_start3A_110 = arith.constant 0 : i32
      %dma_start3A_111 = tpu.memref_slice %arg8[%rem3A_83, %dma_start3A_109, %dma_start3A_110] : memref<6x128x32xf32, #tpu.memory_space<vmem>> -> memref<1x128x32xf32, #tpu.memory_space<vmem>>
      %dma_start3A_112 = tpu.memref_squeeze %dma_start3A_111 : memref<1x128x32xf32, #tpu.memory_space<vmem>> -> memref<128x32xf32, #tpu.memory_space<vmem>>
      %dma_start3A_113 = arith.constant 0 : i32
      %dma_start3A_114 = tpu.memref_slice %arg5[%add3A_108, %dma_start3A_113] : memref<204800x32xf32, #tpu.memory_space<hbm>> -> memref<128x32xf32, #tpu.memory_space<hbm>>
      %dma_start3A_115 = arith.constant 0 : i32
      %dma_start3A_116 = tpu.memref_slice %arg5[%add3A_108, %dma_start3A_115] : memref<204800x32xf32, #tpu.memory_space<hbm>> -> memref<128x32xf32, #tpu.memory_space<hbm>>
      %dma_start3A_117 = arith.constant 0 : i32
      %dma_start3A_118 = arith.constant 0 : i32
      %dma_start3A_119 = tpu.memref_slice %arg8[%rem3A_83, %dma_start3A_117, %dma_start3A_118] : memref<6x128x32xf32, #tpu.memory_space<vmem>> -> memref<1x128x32xf32, #tpu.memory_space<vmem>>
      %dma_start3A_120 = tpu.memref_squeeze %dma_start3A_119 : memref<1x128x32xf32, #tpu.memory_space<vmem>> -> memref<128x32xf32, #tpu.memory_space<vmem>>
      tpu.enqueue_dma source(%dma_start3A_120 : memref<128x32xf32, #tpu.memory_space<vmem>>) target(%dma_start3A_116 : memref<128x32xf32, #tpu.memory_space<hbm>>) target_semaphore(%arg10 : memref<!tpu.dma_semaphore, #tpu.memory_space<semaphore_mem>>)
      %ge3A = arith.constant 2 : i32
      %ge3A_121 = arith.cmpi sge, %scan3A_82, %ge3A : i32
      %convert_element_type3A = arith.extui %ge3A_121 : i1 to i32
      %cond3A = arith.constant 0 : i32
      %cond3A_122 = arith.cmpi ne, %convert_element_type3A, %cond3A : i32
      scf.if %cond3A_122 {
        %dma_wait3A_129 = arith.constant 0 : i32
        %dma_wait3A_130 = arith.constant 0 : i32
        %dma_wait3A_131 = arith.constant 0 : i32
        %dma_wait3A_132 = tpu.memref_slice %arg8[%dma_wait3A_129, %dma_wait3A_130, %dma_wait3A_131] : memref<6x128x32xf32, #tpu.memory_space<vmem>> -> memref<1x128x32xf32, #tpu.memory_space<vmem>>
        %dma_wait3A_133 = tpu.memref_squeeze %dma_wait3A_132 : memref<1x128x32xf32, #tpu.memory_space<vmem>> -> memref<128x32xf32, #tpu.memory_space<vmem>>
        %dma_wait3A_134 = arith.constant 0 : i32
        %dma_wait3A_135 = tpu.memref_slice %arg5[%mul3A_2, %dma_wait3A_134] : memref<204800x32xf32, #tpu.memory_space<hbm>> -> memref<128x32xf32, #tpu.memory_space<hbm>>
        %dma_wait3A_136 = arith.constant 0 : i32
        %dma_wait3A_137 = tpu.memref_slice %arg5[%mul3A_2, %dma_wait3A_136] : memref<204800x32xf32, #tpu.memory_space<hbm>> -> memref<128x32xf32, #tpu.memory_space<hbm>>
        %dma_wait3A_138 = arith.constant 0 : i32
        %dma_wait3A_139 = arith.constant 0 : i32
        %dma_wait3A_140 = tpu.memref_slice %arg8[%dma_wait3A_129, %dma_wait3A_138, %dma_wait3A_139] : memref<6x128x32xf32, #tpu.memory_space<vmem>> -> memref<1x128x32xf32, #tpu.memory_space<vmem>>
        %dma_wait3A_141 = tpu.memref_squeeze %dma_wait3A_140 : memref<1x128x32xf32, #tpu.memory_space<vmem>> -> memref<128x32xf32, #tpu.memory_space<vmem>>
        tpu.wait_dma2 semaphore(%arg10 : memref<!tpu.dma_semaphore, #tpu.memory_space<semaphore_mem>>) src(%dma_wait3A_141 : memref<128x32xf32, #tpu.memory_space<vmem>>) dst(%dma_wait3A_137 : memref<128x32xf32, #tpu.memory_space<hbm>>)
      } else {
      }
      %add3A_123 = arith.constant 4 : i32
      %add3A_124 = arith.addi %scan3A_82, %add3A_123 : i32
      %lt3A = arith.constant 50 : i32
      %lt3A_125 = arith.cmpi slt, %add3A_124, %lt3A : i32
      %convert_element_type3A_126 = arith.extui %lt3A_125 : i1 to i32
      %cond3A_127 = arith.constant 0 : i32
      %cond3A_128 = arith.cmpi ne, %convert_element_type3A_126, %cond3A_127 : i32
      scf.if %cond3A_128 {
        %add3A_129 = arith.constant 4 : i32
        %add3A_130 = arith.addi %scan3A_82, %add3A_129 : i32
        %add3A_131 = arith.constant 4 : i32
        %add3A_132 = arith.addi %scan3A_82, %add3A_131 : i32
        %rem3A_133 = arith.constant 6 : i32
        %rem3A_134 = arith.remsi %add3A_132, %rem3A_133 : i32
        %dma_start3A_135 = arith.constant 0 : i32
        %dma_start3A_136 = arith.constant 0 : i32
        %dma_start3A_137 = tpu.memref_slice %arg8[%rem3A_134, %dma_start3A_135, %dma_start3A_136] : memref<6x128x32xf32, #tpu.memory_space<vmem>> -> memref<1x128x32xf32, #tpu.memory_space<vmem>>
        %dma_start3A_138 = tpu.memref_squeeze %dma_start3A_137 : memref<1x128x32xf32, #tpu.memory_space<vmem>> -> memref<128x32xf32, #tpu.memory_space<vmem>>
        %dma_start3A_139 = arith.constant 0 : i32
        %dma_start3A_140 = tpu.memref_slice %arg6[%add3A_130, %dma_start3A_139] : memref<50x128xi32, #tpu.memory_space<vmem>> -> memref<1x128xi32, #tpu.memory_space<vmem>>
        %dma_start3A_141 = tpu.memref_squeeze %dma_start3A_140 : memref<1x128xi32, #tpu.memory_space<vmem>> -> memref<128xi32, #tpu.memory_space<vmem>>
        %dma_start3A_142 = arith.constant 0 : i32
        %dma_start3A_143 = arith.constant 0 : i32
        %dma_start3A_144 = tpu.memref_slice %arg3[%dma_start3A_142, %dma_start3A_143] : memref<1000000x32xf32, #tpu.memory_space<hbm>> -> memref<1000000x32xf32, #tpu.memory_space<hbm>>
        tpu.enqueue_indirect_dma source(%dma_start3A_144 : memref<1000000x32xf32, #tpu.memory_space<hbm>>) target(%dma_start3A_138 : memref<128x32xf32, #tpu.memory_space<vmem>>) offsets(%dma_start3A_141 : memref<128xi32, #tpu.memory_space<vmem>>) semaphore(%arg9 : memref<!tpu.dma_semaphore, #tpu.memory_space<semaphore_mem>>)
      } else {
      }
    }
    %scan3A_56 = arith.constant 50 : i32
    %dma_wait3A = arith.constant 0 : i32
    %dma_wait3A_57 = arith.constant 0 : i32
    %dma_wait3A_58 = arith.constant 0 : i32
    %dma_wait3A_59 = tpu.memref_slice %arg8[%dma_wait3A, %dma_wait3A_57, %dma_wait3A_58] : memref<6x128x32xf32, #tpu.memory_space<vmem>> -> memref<1x128x32xf32, #tpu.memory_space<vmem>>
    %dma_wait3A_60 = tpu.memref_squeeze %dma_wait3A_59 : memref<1x128x32xf32, #tpu.memory_space<vmem>> -> memref<128x32xf32, #tpu.memory_space<vmem>>
    %dma_wait3A_61 = arith.constant 0 : i32
    %dma_wait3A_62 = tpu.memref_slice %arg5[%mul3A_2, %dma_wait3A_61] : memref<204800x32xf32, #tpu.memory_space<hbm>> -> memref<128x32xf32, #tpu.memory_space<hbm>>
    %dma_wait3A_63 = arith.constant 0 : i32
    %dma_wait3A_64 = tpu.memref_slice %arg5[%mul3A_2, %dma_wait3A_63] : memref<204800x32xf32, #tpu.memory_space<hbm>> -> memref<128x32xf32, #tpu.memory_space<hbm>>
    %dma_wait3A_65 = arith.constant 0 : i32
    %dma_wait3A_66 = arith.constant 0 : i32
    %dma_wait3A_67 = tpu.memref_slice %arg8[%dma_wait3A, %dma_wait3A_65, %dma_wait3A_66] : memref<6x128x32xf32, #tpu.memory_space<vmem>> -> memref<1x128x32xf32, #tpu.memory_space<vmem>>
    %dma_wait3A_68 = tpu.memref_squeeze %dma_wait3A_67 : memref<1x128x32xf32, #tpu.memory_space<vmem>> -> memref<128x32xf32, #tpu.memory_space<vmem>>
    tpu.wait_dma2 semaphore(%arg10 : memref<!tpu.dma_semaphore, #tpu.memory_space<semaphore_mem>>) src(%dma_wait3A_68 : memref<128x32xf32, #tpu.memory_space<vmem>>) dst(%dma_wait3A_64 : memref<128x32xf32, #tpu.memory_space<hbm>>)
    %dma_wait3A_69 = arith.constant 0 : i32
    %dma_wait3A_70 = arith.constant 0 : i32
    %dma_wait3A_71 = arith.constant 0 : i32
    %dma_wait3A_72 = tpu.memref_slice %arg8[%dma_wait3A_69, %dma_wait3A_70, %dma_wait3A_71] : memref<6x128x32xf32, #tpu.memory_space<vmem>> -> memref<1x128x32xf32, #tpu.memory_space<vmem>>
    %dma_wait3A_73 = tpu.memref_squeeze %dma_wait3A_72 : memref<1x128x32xf32, #tpu.memory_space<vmem>> -> memref<128x32xf32, #tpu.memory_space<vmem>>
    %dma_wait3A_74 = arith.constant 0 : i32
    %dma_wait3A_75 = tpu.memref_slice %arg5[%mul3A_2, %dma_wait3A_74] : memref<204800x32xf32, #tpu.memory_space<hbm>> -> memref<128x32xf32, #tpu.memory_space<hbm>>
    %dma_wait3A_76 = arith.constant 0 : i32
    %dma_wait3A_77 = tpu.memref_slice %arg5[%mul3A_2, %dma_wait3A_76] : memref<204800x32xf32, #tpu.memory_space<hbm>> -> memref<128x32xf32, #tpu.memory_space<hbm>>
    %dma_wait3A_78 = arith.constant 0 : i32
    %dma_wait3A_79 = arith.constant 0 : i32
    %dma_wait3A_80 = tpu.memref_slice %arg8[%dma_wait3A_69, %dma_wait3A_78, %dma_wait3A_79] : memref<6x128x32xf32, #tpu.memory_space<vmem>> -> memref<1x128x32xf32, #tpu.memory_space<vmem>>
    %dma_wait3A_81 = tpu.memref_squeeze %dma_wait3A_80 : memref<1x128x32xf32, #tpu.memory_space<vmem>> -> memref<128x32xf32, #tpu.memory_space<vmem>>
    tpu.wait_dma2 semaphore(%arg10 : memref<!tpu.dma_semaphore, #tpu.memory_space<semaphore_mem>>) src(%dma_wait3A_81 : memref<128x32xf32, #tpu.memory_space<vmem>>) dst(%dma_wait3A_77 : memref<128x32xf32, #tpu.memory_space<hbm>>)
    return
  }
}

</mosaic_0001>

<sc_bundles>
// kernel: _sc_embed.4.cloned.1.call-start
scs
__scs_entry_jumppad:
0x0: {  	(pc) =	sbr.rel $0x88, $3  }
0x1: {  	(tag) =	ssettag $0x0;
	lr =	simm.s32 $0x1  }
0x2: {  	[smem:$0x3F9E] =	sst lr;
	_ =	strace $0xD0000000  }
0x3: {  	_ = 	snop  }
0x4: {  	_ = 	snop  }
0x5: {  	_ = 	snop  }
0x6: {  	_ = 	snop  }
0x7: {  	_ = 	snop  }
__scs_overlays_trampoline_lowered:
0x8: {  	[smem:$0x3FAD] =	sst s0  }
0x9: {  	[smem:$0x3FAE] =	sst s1  }
0xa: {  	[smem:$0x3FAF] =	sst s2  }
0xb: {  	[smem:$0x3FB0] =	sst s3  }
0xc: {  	[smem:$0x3FB1] =	sst s4  }
0xd: {  	[smem:$0x3FB2] =	sst s5  }
0xe: {  	[smem:$0x3FB3] =	sst s6  }
0xf: {  	[smem:$0x3FB4] =	sst s7  }
0x10: {  	[smem:$0x3FB5] =	sst s8  }
0x11: {  	[smem:$0x3FB6] =	sst s9;
	s0 =	simm.s32 @!p0 $0x0  }
0x12: {  	s1 =	sld [smem:$0x3F9C];
	s0 =	simm.s32 @p0 $0x1  }
0x13: {  	[smem:$0x3FB7] =	sst s0;
	s0 =	simm.s32 @!p1 $0x0  }
0x14: {  	s2 =	sld [smem:$0x3F9B];
	s0 =	simm.s32 @p1 $0x1  }
0x15: {  	[smem:$0x3FB8] =	sst s0;
	s0 =	simm.s32 @!p2 $0x0  }
0x16: {  	s3 =	sld [smem:$0x3FDB];
	s0 =	simm.s32 @p2 $0x1  }
0x17: {  	s4 =	simm.s32 $0x1BF5;
	[smem:$0x3FBA] =	sst s0  }
0x18: {  	s0 =	sld [smem:$0x3F9D];
	_ =	swait.ge [sflag:s4], $0x0  }
0x19: {  	s7 =	sld [smem:$0x3F9E]  }
0x1a: {  	s8 =	sadd.s32 $0xFFFFE003, lr  }
0x1b: {  	s9 =	sadd.s32 $0xFFFFFEF7, lr;
	s5 =	simm.s32 $0xFFFFFFFF;
	p2 =	slt.u32 s8, $0xFFFFF086  }
0x1c: {  	p1 =	slt.u32 s9, $0xF7A;
	s5 =	simm.s32 @!p2 $0x0  }
0x1d: {  	s5 =	simm.s32 @p1 $0x1;
	p0 =	seq.s32 s7, s2  }
0x1e: {  	s7 =	smul.u32 @!p0 $0xF7A, s2;
	p2 =	seq.s32 @!p0 s5, $0x0  }
0x1f: {  	s9 =	smul.u32 $0xF7A, s1;
	s8 =	simm.s32 @!p0 $0x1BF5;
	p2 =	por !p2, p0  }
0x20: {  	[sflag:s8] =	ssyncset.s32 @!p0 $0xFFFFF086;
	s6 =	sadd.s32 @!p0 s3, s7;
	s7 =	simm.s32 @!p0 $0x108  }
0x21: {  	s3 =	sadd.s32 s3, s9;
	s6 =	sadd.s32 @!p0 $0x88, s6;
	s7 =	simm.s32 @p2 $0x1082  }
0x22: {  	[simem:s7], [sflag:s8] =	dma.local @!p0 [hbm:s6], $0xF7A  }
0x23: {  	s9 =	sor.u32 $0xD0000000, s2;
	s6 =	simm.s32 $0x108;
	_ =	swait.ge @!p0 [sflag:s8], $0x0  }
0x24: {  	s3 =	sadd.s32 $0x88, s3;
	s6 =	simm.s32 @!p1 $0x1082;
	[sflag:s4] =	ssyncset.s32 $0xFFFFF086  }
0x25: {  	[simem:s6], [sflag:s4] =	dma.local [hbm:s3], $0xF7A  }
0x26: {  	[smem:$0x3F9E] =	sst s1;
	(tag) =	ssettag s2;
	_ =	strace s9  }
0x27: {  	s1 =	sld [smem:$0x3FAE]  }
0x28: {  	s2 =	sld [smem:$0x3FAF]  }
0x29: {  	s4 =	sld [smem:$0x3FB1]  }
0x2a: {  	p0 =	seq.s32 s5, $0x0;
	s5 =	sld [smem:$0x3FB2]  }
0x2b: {  	s6 =	sld [smem:$0x3FB3]  }
0x2c: {  	s7 =	sld [smem:$0x3FB4]  }
0x2d: {  	s3 =	simm.s32 $0x108;
	s8 =	sld [smem:$0x3FB5]  }
0x2e: {  	s3 =	simm.s32 @!p0 $0x1082;
	s9 =	sld [smem:$0x3FB6]  }
0x2f: {  	lr =	sadd.s32 s0, s3;
	s0 =	sld [smem:$0x3FAD]  }
0x30: {  	s3 =	sld [smem:$0x3FB0]  }
0x31: {  	[smem:$0x3FB9] =	sst s10  }
0x32: {  	s10 =	sld [smem:$0x3FB7];
	_ =	sdelay $0x3  }
0x33: {  	p0 =	seq.s32 s10, $0x1;
	s10 =	sld [smem:$0x3FB9];
	_ =	sdelay $0x3  }
0x34: {  	[smem:$0x3FB9] =	sst s10  }
0x35: {  	s10 =	sld [smem:$0x3FB8];
	_ =	sdelay $0x3  }
0x36: {  	p1 =	seq.s32 s10, $0x1;
	s10 =	sld [smem:$0x3FB9];
	_ =	sdelay $0x3  }
0x37: {  	[smem:$0x3FB9] =	sst s10  }
0x38: {  	s10 =	sld [smem:$0x3FBA]  }
0x39: {  	_ = 	snop;
	(pc) =	sbr.ind lr, $3  }
0x3a: {  	_ = 	snop  }
0x3b: {  	_ = 	snop  }
0x3c: {  	p2 =	seq.s32 s10, $0x1;
	s10 =	sld [smem:$0x3FB9]  }
0x3d: {  	_ =	shalt  }
0x3e: {  	_ =	shalt  }
0x3f: {  	_ =	shalt  }
0x40: {  	_ =	shalt  }
0x41: {  	_ =	shalt  }
0x42: {  	_ =	shalt  }
0x43: {  	_ =	shalt  }
0x44: {  	_ =	shalt  }
0x45: {  	_ =	shalt  }
0x46: {  	_ =	shalt  }
0x47: {  	_ =	shalt  }
0x48: {  	_ =	shalt  }
0x49: {  	_ =	shalt  }
0x4a: {  	_ =	shalt  }
0x4b: {  	_ =	shalt  }
0x4c: {  	_ =	shalt  }
0x4d: {  	_ =	shalt  }
0x4e: {  	_ =	shalt  }
0x4f: {  	_ =	shalt  }
0x50: {  	_ =	shalt  }
0x51: {  	_ =	shalt  }
0x52: {  	_ =	shalt  }
0x53: {  	_ =	shalt  }
0x54: {  	_ =	shalt  }
0x55: {  	_ =	shalt  }
0x56: {  	_ =	shalt  }
0x57: {  	_ =	shalt  }
0x58: {  	_ =	shalt  }
0x59: {  	_ =	shalt  }
0x5a: {  	_ =	shalt  }
0x5b: {  	_ =	shalt  }
0x5c: {  	_ =	shalt  }
0x5d: {  	_ =	shalt  }
0x5e: {  	_ =	shalt  }
0x5f: {  	_ =	shalt  }
0x60: {  	_ =	shalt  }
0x61: {  	_ =	shalt  }
0x62: {  	_ =	shalt  }
0x63: {  	_ =	shalt  }
0x64: {  	_ =	shalt  }
0x65: {  	_ =	shalt  }
0x66: {  	_ =	shalt  }
0x67: {  	_ =	shalt  }
0x68: {  	_ =	shalt  }
0x69: {  	_ =	shalt  }
0x6a: {  	_ =	shalt  }
0x6b: {  	_ =	shalt  }
0x6c: {  	_ =	shalt  }
0x6d: {  	_ =	shalt  }
0x6e: {  	_ =	shalt  }
0x6f: {  	_ =	shalt  }
0x70: {  	_ =	shalt  }
0x71: {  	_ =	shalt  }
0x72: {  	_ =	shalt  }
0x73: {  	_ =	shalt  }
0x74: {  	_ =	shalt  }
0x75: {  	_ =	shalt  }
0x76: {  	_ =	shalt  }
0x77: {  	_ =	shalt  }
0x78: {  	_ =	shalt  }
0x79: {  	_ =	shalt  }
0x7a: {  	_ =	shalt  }
0x7b: {  	_ =	shalt  }
0x7c: {  	_ =	shalt  }
0x7d: {  	_ =	shalt  }
0x7e: {  	_ =	shalt  }
0x7f: {  	_ =	shalt  }
0x80: {  	_ =	shalt  }
0x81: {  	_ =	shalt  }
0x82: {  	_ =	shalt  }
0x83: {  	_ =	shalt  }
0x84: {  	_ =	shalt  }
0x85: {  	_ =	shalt  }
0x86: {  	_ =	shalt  }
0x87: {  	_ =	shalt  }
.Lfunc_end0:
.L_simem_size_0:
called_computation_lowered:
.L_overlay_start_0:
0x88: {  	s2 =	sld [smem:$0x3FD9]  }
0x89: {  	s3 =	sld [smem:$0x3FFE];
	_ =	sdelay $0x1  }
0x8a: {  	s1 =	srdreg.scid  }
0x8b: {  	s0 =	sand.u32 $0x1, s1  }
0x8c: {  	s17 =	sshll.u32 s0, $0xA;
	s2 =	sadd.s32 s3, s2  }
0x8d: {  	s2 =	sadd.s32 s2, s17  }
0x8e: {  	[smem:$0x3FC5] =	sst s2  }
0x8f: {  	_ = 	snop  }
0x90: {  	s2 =	sld [smem:$0x3FC8]  }
0x91: {  	s18 =	sld [smem:$0x3FD0];
	(tm) =	ssettm $0x1  }
0x92: {  	s4 =	sld [smem:$0x3FFB];
	_ =	sdelay $0x3  }
0x93: {  	_ =	strace s4  }
0x94: {  	s4 =	sld [smem:$0x3FFC];
	_ =	sdelay $0x3  }
0x95: {  	_ =	strace s4  }
0x96: {  	s4 =	sld [smem:$0x3FFD];
	_ =	sdelay $0x3  }
0x97: {  	_ =	strace s4  }
0x98: {  	_ =	strace $0x8FFFFFFF  }
0x99: {  	s19 =	sld [smem:$0x3FDB];
	_ =	sdelay $0x1  }
0x9a: {  	s5 =	simm.s32 $_scs_section_size  }
0x9b: {  	s6 =	simm.s32 $_size__tile_overlayer_lowered;
	s7 =	simm.s32 $_tile_overlayer_lowered  }
0x9c: {  	s22 =	simm.s32 $0x1BFF;
	s21 =	sshll.u32 s7, $0x1;
	s4 =	sadd.s32 s5, s19  }
0x9d: {  	s8 =	simm.s32 $0x0;
	s20 =	sshll.u32 s6, $0x1;
	s6 =	sadd.s32 s21, s4  }
0x9e: {  	[timem:s8], [sflag:s22] =	dma.local [hbm:s6], s20  }
0x9f: {  	_ =	swait.ge [sflag:s22], s20  }
0xa0: {  	s5 =	ssub.s32 $0x0, s20;
	[sflag:s22] =	ssyncset.done $0x0  }
0xa1: {  	[sflag:s22] =	ssyncadd.s32 s5;
	_ =	sdelay $0x1  }
0xa2: {  	s23 =	simm.s32 $0x1B8B  }
0xa3: {  	_ =	swait.ge [sflag:s23], $0x1  }
0xa4: {  	[sflag:s23] =	ssyncset.done $0x0  }
0xa5: {  	s25 =	simm.s32 $0x1B8E;
	s24 =	sld [smem:$0x3FFE];
	[sflag:s23] =	ssyncadd.s32 $0xFFFFFFFF  }
0xa6: {  	s26 =	simm.s32 $execute0_lowered;
	[smem:$0x3FD2] =	sst s25  }
0xa7: {  	s6 =	sshll.u32 s26, $0x1;
	_ =	strace $0x80000046;
	[dreg:$0x1] =	wrdreg $0xFFFFFFFF  }
0xa8: {  	s28 =	simm.s32 $_size_execute0_lowered;
	s4 =	sadd.s32 s4, s6;
	[dreg:$0x0] =	wrdreg $0x0  }
0xa9: {  	s6 =	sshll.u32 s28, $0x1;
	[dreg:$0x2] =	wrdreg s4  }
0xaa: {  	[dreg:$0x3] =	wrdreg s6  }
0xab: {  	[dreg:$0x4] =	wrdreg $0xC0  }
0xac: {  	_ =	task [dreg:s8], $0x5FFFF  }
0xad: {  	[dreg:$0x1] =	wrdreg $0xFFFFFFFF  }
0xae: {  	[dreg:$0x0] =	wrdreg $0x60  }
0xaf: {  	[dreg:$0x2] =	wrdreg s2  }
0xb0: {  	[dreg:$0x3] =	wrdreg s18  }
0xb1: {  	[dreg:$0x4] =	wrdreg s24  }
0xb2: {  	[dreg:$0x5] =	wrdreg $0x9  }
0xb3: {  	_ =	task.clear_ibuf [dreg:s8], $0x6FFFF;
	_ =	strace $0x90000046  }
0xb4: {  	s29 =	simm.s32 $0x9;
	_ =	strace $0x80000048  }
0xb5: {  	_ =	swait.ge [sflag:s29], $0x1  }
0xb6: {  	[sflag:s29] =	ssyncadd.s32 $0xFFFFFFFF  }
0xb7: {  	_ =	strace $0x90000048  }
0xb8: {  	_ =	sfence  }
0xb9: {  	s30 =	sld [smem:$0x0];
	_ =	sdelay $0x2  }
0xba: {  	s31 =	sshll.u32 s1, $0xD;
	s1 =	sshrl.u32 s1, $0x2  }
0xbb: {  	s3 =	sand.u32 $0x4000, s31;
	s1 =	sadd.s32 s1, s30  }
0xbc: {  	s0 =	sor.u32 s3, s0;
	s1 =	sshll.u32 s1, $0x11  }
0xbd: {  	s0 =	sor.u32 s1, s0  }
0xbe: {  	s0 =	sadd.s32 $0x8F2B, s0  }
0xbf: {  	[sflag:s0] =	ssyncadd.remote.s32 $0x1  }
0xc0: {  	_ =	sfence.sel $0xFFFF  }
0xc1: {  	[dreg:$0x0] =	wrdreg $0xFFFFFFFF;
	(pc) =	sbr.abs _section_cstart, $3  }
0xc2: {  	[dreg:$0x1] =	wrdreg $0xFFFFFFFF  }
0xc3: {  	_ =	task.clear_ibuf [dreg:s8], $0x2FFFF;
	_ =	strace $0x9FFFFFFF  }
0xc4: {  	(tm) =	ssettm $0x7FFFFFFF  }
0xc5: {  	_ =	shalt  }
tec
execute0_lowered:
.L_overlay_start_1:
0x0: {  	(tag) =	ssettag $0x1  }
0x1: {  	v0 =	vimm.s32 $0xB80;
	vm0 =	vcmask $0x300;
	v1 =	vimm.s32 $0x1B80  }
0x2: {  	vm1 =	vcmask $0x704;
	v0 =	vsel vm0, $0x0, v0;
	v1 =	vsel vm0, $0x1000, v1  }
0x3: {  	vm15 =	vcmask $0xB08;
	v0 =	vsel vm1, $0x80, v0;
	v1 =	vsel vm1, $0x1080, v1  }
0x4: {  	s1 =	srdreg.scid;
	vm4 =	vcmask $0xF0C;
	s12 =	rddreg [dreg:$0x2];
	v0 =	vsel vm15, $0x100, v0;
	v1 =	vsel vm15, $0x1100, v1  }
0x5: {  	s0 =	stileid.u32;
	vm5 =	vcmask $0x1310;
	s3 =	rddreg [dreg:$0x3];
	v0 =	vsel vm4, $0x180, v0;
	v1 =	vsel vm4, $0x1180, v1  }
0x6: {  	vm6 =	vcmask $0x1714;
	s4 =	simm.s32 $0x0;
	s14 =	simm.s32 $0x800;
	s15 =	simm.s32 $0x1000;
	v0 =	vsel vm5, $0x200, v0;
	v1 =	vsel vm5, $0x1200, v1  }
0x7: {  	vm7 =	vcmask $0x1B18;
	s16 =	simm.s32 $0x1800;
	s17 =	simm.s32 $0x1;
	s18 =	simm.s32 $0x2000;
	v0 =	vsel vm6, $0x280, v0;
	v1 =	vsel vm6, $0x1280, v1  }
0x8: {  	vm8 =	vcmask $0x1F1C;
	s6 =	sand.u32 $0x1, s1;
	s2 =	sshll.u32 s0, $0x1;
	s1 =	rddreg [dreg:$0x0];
	v0 =	vsel vm7, $0x300, v0;
	v1 =	vsel vm7, $0x1300, v1  }
0x9: {  	vm9 =	vcmask $0x2320;
	s20 =	simm.s32 $0x0;
	[smem:$0x7FF] =	sst s4;
	s19 =	sor.u32 s6, s2;
	v0 =	vsel vm8, $0x380, v0;
	v1 =	vsel vm8, $0x1380, v1  }
0xa: {  	vm10 =	vcmask $0x2724;
	p0 =	slt.u32 s0, $0x2;
	s8 =	ssub.s32 $0x2, s6;
	s5 =	smul.u32 $0xF4, s19;
	v0 =	vsel vm9, $0x800, v0;
	v1 =	vsel vm9, $0x1800, v1  }
0xb: {  	vm11 =	vcmask $0x2B28;
	s2 =	rddreg [dreg:$0x1];
	s7 =	smin.u32 s19, $0x4;
	s9 =	sshrl.u32 s8, $0x1;
	v0 =	vsel vm10, $0x880, v0;
	v1 =	vsel vm10, $0x1880, v1  }
0xc: {  	vm12 =	vcmask $0x2F2C;
	_ =	strace $0x80000047;
	s13 =	ssub.s32 s8, s9;
	s5 =	sadd.s32 s7, s5;
	v0 =	vsel vm11, $0x900, v0;
	v1 =	vsel vm11, $0x1900, v1  }
0xd: {  	vm13 =	vcmask $0x3330;
	s9 =	simm.s32 $0xF5;
	s7 =	sadd.s32 $0xC00, s12;
	s31 =	sshll.u32 s5, $0x7;
	v0 =	vsel vm12, $0x980, v0;
	v1 =	vsel vm12, $0x1980, v1  }
0xe: {  	vm14 =	vcmask $0x3734;
	s9 =	simm.s32 @!p0 $0xF4;
	s12 =	sadd.s32 $0x3D1400, s12;
	s6 =	sadd.s32 s1, s31;
	v0 =	vsel vm13, $0xA00, v0;
	v1 =	vsel vm13, $0x1A00, v1  }
0xf: {  	vm15 =	vcmask $0x3B38;
	s13 =	smax.u32 s13, $0x1;
	p0 =	sne.s32 s19, $0x0;
	s8 =	sadd.s32 $0x1E8500, s6;
	v0 =	vsel vm14, $0xA80, v0;
	v1 =	vsel vm14, $0x1A80, v1  }
0x10: {  	s19 =	simm.s32 $0x2;
	s10 =	sadd.s32 $0x2DC780, s6;
	s11 =	sadd.s32 $0xF4280, s6;
	v0 =	vsel vm15, $0xB00, v0;
	v1 =	vsel vm15, $0x1B00, v1  }
.LBB2_1:
0x11: {  	[tilespmem:s4], [sflag:$0x1] =	stream.linear.gather [hbm4b:s6+s4], $0x400, $0x38;
	[tilespmem:$0x6800] =	vst v63  }
0x12: {  	_ = 	snop  }
0x13: {  	[tilespmem:s14], [sflag:$0x1] =	stream.linear.gather [hbm4b:s11+s4], $0x400, $0x38;
	[tilespmem:$0x6800] =	vst v63  }
0x14: {  	_ = 	snop  }
0x15: {  	[tilespmem:s15], [sflag:$0x1] =	stream.linear.gather [hbm4b:s8+s4], $0x400, $0x38;
	[tilespmem:$0x6800] =	vst v63  }
0x16: {  	p1 =	por $0x0, $0x0;
	s22 =	simm.s32 $0x0  }
0x17: {  	[tilespmem:s16], [sflag:$0x1] =	stream.linear.gather [hbm4b:s10+s4], $0x400, $0x38;
	[tilespmem:$0x6800] =	vst v63  }
.LBB2_3:
0x18: {  	s21 =	sadd.s32 $0x1, s22  }
0x19: {  	p2 =	sge.u32 s21, s9  }
0x1a: {  	s23 =	sadd.s32 @!p2 s5, s22  }
0x1b: {  	s23 =	sshll.u32 @!p2 s23, $0x7  }
0x1c: {  	s23 =	sand.u32 @!p2 $0x1FFFFF80, s23  }
0x1d: {  	s24 =	sshll.u32 @!p2 s21, $0xD;
	s23 =	sadd.s32 @!p2 s1, s23  }
0x1e: {  	s26 =	simm.s32 @!p2 $0x0;
	s24 =	sand.u32 @!p2 $0x2000, s24;
	s25 =	sadd.s32 @!p2 $0x80, s23  }
0x1f: {  	[tilespmem:s24], [sflag:$0x1] =	stream.linear.gather @!p2 [hbm4b:s25+s26], $0x400, $0x38;
	[tilespmem:$0x6800] =	vst v63  }
0x20: {  	s28 =	sadd.s32 @!p2 $0xF4300, s23;
	s25 =	sor.u32 @!p2 $0x800, s24  }
0x21: {  	[tilespmem:s25], [sflag:$0x1] =	stream.linear.gather @!p2 [hbm4b:s28+s26], $0x400, $0x38;
	[tilespmem:$0x6800] =	vst v63  }
0x22: {  	s25 =	sor.u32 @!p2 $0x1000, s24;
	s28 =	sadd.s32 @!p2 $0x1E8580, s23  }
0x23: {  	[tilespmem:s25], [sflag:$0x1] =	stream.linear.gather @!p2 [hbm4b:s28+s26], $0x400, $0x38;
	[tilespmem:$0x6800] =	vst v63  }
0x24: {  	s24 =	sor.u32 @!p2 $0x1800, s24;
	s23 =	sadd.s32 @!p2 $0x2DC800, s23  }
0x25: {  	[tilespmem:s24], [sflag:$0x1] =	stream.linear.gather @!p2 [hbm4b:s23+s26], $0x400, $0x38;
	[tilespmem:$0x6800] =	vst v63  }
0x26: {  	_ =	swait.ge [sflag:s17], $0x400  }
0x27: {  	[sflag:s17] =	ssyncset.done $0x0  }
0x28: {  	[sflag:s17] =	ssyncadd.s32 $0xFFFFFC00  }
0x29: {  	_ =	swait.ge [sflag:s17], $0x400  }
0x2a: {  	[sflag:s17] =	ssyncset.done $0x0  }
0x2b: {  	[sflag:s17] =	ssyncadd.s32 $0xFFFFFC00  }
0x2c: {  	_ =	swait.ge [sflag:s17], $0x400  }
0x2d: {  	[sflag:s17] =	ssyncset.done $0x0  }
0x2e: {  	s31 =	sand.u32 $0x1, s22;
	[sflag:s17] =	ssyncadd.s32 $0xFFFFFC00  }
0x2f: {  	p3 =	seq.s32 s31, $0x1;
	_ =	swait.ge [sflag:s17], $0x400  }
.Ltmp0:
0x30: {  	p2 =	slt.u32 s22, $0x2;
	[sflag:s17] =	ssyncset.done $0x0;
	(pc) =	sbr.rel @!p3 .LBB2_7-.Ltmp0, $4  }
0x31: {  	s23 =	simm.s32 @!p2 $0x2;
	[sflag:s17] =	ssyncadd.s32 $0xFFFFFC00  }
0x32: {  	_ =	swait.ge @!p2 [sflag:s23], $0x1000  }
0x33: {  	[sflag:s23] =	ssyncset.done @!p2 $0x0  }
0x34: {  	s25 =	simm.s32 $0x0;
	[sflag:s23] =	ssyncadd.s32 @!p2 $0xFFFFF000;
	s23 =	simm.s32 $0x4100  }
0x35: {  	s26 =	simm.s32 $0x7  }
0x36: {  	v2 =	vor.u32 s26, v0  }
0x37: {  	s28 =	simm.s32 $0x1;
	v3 =	vor.u32 s26, v1  }
0x38: {  	s30 =	simm.s32 $0x6;
	v4 =	vor.u32 s28, v0  }
0x39: {  	v5 =	vor.u32 s30, v1  }
0x3a: {  	v6 =	vor.u32 s28, v1;
	s28 =	simm.s32 $0x2  }
0x3b: {  	v7 =	vor.u32 s28, v0;
	v2 =	vld.idx.msk [tilespmem:v2+s18+$0x0], $0xffff  }
0x3c: {  	v8 =	vor.u32 s28, v1;
	s28 =	simm.s32 $0x3;
	v9 =	vld.idx.msk [tilespmem:v3+s18+$0x0], $0xffff  }
0x3d: {  	v10 =	vld.idx.msk [tilespmem:v4+s18+$0x0], $0xffff;
	v3 =	vor.u32 s28, v0  }
0x3e: {  	v5 =	vld.idx.msk [tilespmem:v5+s18+$0x0], $0xffff;
	v4 =	vor.u32 s30, v0  }
0x3f: {  	v11 =	vor.u32 s28, v1;
	v12 =	vld.idx.msk [tilespmem:v6+s18+$0x0], $0xffff;
	s30 =	simm.s32 $0x5  }
0x40: {  	s31 =	simm.s32 $0x4;
	v7 =	vld.idx.msk [tilespmem:v7+s18+$0x0], $0xffff;
	v13 =	vor.u32 s30, v0  }
0x41: {  	s24 =	simm.s32 $0x1C0;
	v6 =	vor.u32 s31, v0;
	v14 =	vld.idx.msk [tilespmem:v8+s18+$0x0], $0xffff  }
0x42: {  	s28 =	sor.u32 $0x60, s24;
	v8 =	vor.u32 s31, v1;
	v3 =	vld.idx.msk [tilespmem:v3+s18+$0x0], $0xffff  }
0x43: {  	s23 =	simm.s32 $0x40F0;
	[tilespmem:s28+$0x4000] =	vst v2;
	v2 =	vld.idx.msk [tilespmem:v4+s18+$0x0], $0xffff  }
0x44: {  	v15 =	vor.u32 s30, v1;
	s31 =	simm.s32 $0xF;
	v4 =	vld.idx.msk [tilespmem:v11+s18+$0x0], $0xffff;
	[tilespmem:s23+$0xE0] =	vst v5  }
0x45: {  	s28 =	sor.u32 $0x70, s24;
	[tilespmem:s23+$0xFFFFFFD0] =	vst v7;
	v7 =	vld.idx.msk [tilespmem:v13+s18+$0x0], $0xffff;
	v13 =	vor.u32 s31, v0  }
0x46: {  	v6 =	vld.idx.msk [tilespmem:v6+s18+$0x0], $0xffff;
	[tilespmem:s28+$0x4000] =	vst v9;
	v9 =	vor.u32 s25, v0  }
0x47: {  	[tilespmem:s23+$0xFFFFFFB0] =	vst v10;
	v5 =	vld.idx.msk [tilespmem:v8+s18+$0x0], $0xffff;
	v8 =	vor.u32 s25, v1  }
0x48: {  	s29 =	simm.s32 $0x9;
	[tilespmem:s23+$0xFFFFFFC0] =	vst v12;
	v11 =	vor.u32 s31, v1  }
0x49: {  	s26 =	simm.s32 $0x10;
	v10 =	vor.u32 s29, v0;
	s25 =	simm.s32 $0x8;
	s28 =	simm.s32 $0xE;
	[tilespmem:s23+$0xFFFFFFE0] =	vst v14;
	v12 =	vld.idx.msk [tilespmem:v15+s18+$0x0], $0xffff  }
.LBB2_5:
0x4a: {  	p2 =	slt.u32 s26, $0x78;
	v14 =	vor.u32 s28, v1;
	v13 =	vld.idx.msk [tilespmem:v13+s18+$0x0], $0xffff;
	[tilespmem:s23+$0xFFFFFFF0] =	vst v3  }
0x4b: {  	v3 =	vor.u32 s29, v1;
	s29 =	sadd.s32 $0x2, s25;
	v9 =	vld.idx.msk [tilespmem:v9+s18+$0x0], $0xffff;
	[tilespmem:s23+$0x0] =	vst v4  }
0x4c: {  	v4 =	vor.u32 s29, v0;
	v8 =	vld.idx.msk [tilespmem:v8+s18+$0x0], $0xffff;
	[tilespmem:s23+$0x90] =	vst v6  }
0x4d: {  	v6 =	vor.u32 s29, v1;
	s29 =	sadd.s32 $0x3, s25;
	v11 =	vld.idx.msk [tilespmem:v11+s18+$0x0], $0xffff;
	[tilespmem:s23+$0xA0] =	vst v5  }
0x4e: {  	v5 =	vld.idx.msk [tilespmem:v10+s18+$0x0], $0xffff;
	v10 =	vor.u32 s29, v0;
	[tilespmem:s23+$0xB0] =	vst v7  }
0x4f: {  	v7 =	vor.u32 s29, v1;
	v14 =	vld.idx.msk [tilespmem:v14+s18+$0x0], $0xffff;
	[tilespmem:s23+$0xC0] =	vst v12  }
0x50: {  	v15 =	vor.u32 s28, v0;
	s29 =	sadd.s32 $0x4, s25;
	v12 =	vld.idx.msk [tilespmem:v3+s18+$0x0], $0xffff;
	[tilespmem:s23+$0xD0] =	vst v2  }
0x51: {  	s24 =	sadd.s32 $0x200, s24;
	v17 =	vor.u32 s29, v0;
	v16 =	vld.idx.msk [tilespmem:v4+s18+$0x0], $0xffff;
	[tilespmem:s23+$0xFFFFFF90] =	vst v9  }
0x52: {  	s28 =	sadd.s32 $0x5, s25;
	v19 =	vor.u32 s29, v1;
	s29 =	sor.u32 $0x60, s24;
	v18 =	vld.idx.msk [tilespmem:v6+s18+$0x0], $0xffff;
	[tilespmem:s23+$0xFFFFFFA0] =	vst v8  }
0x53: {  	v3 =	vld.idx.msk [tilespmem:v10+s18+$0x0], $0xffff;
	v10 =	vor.u32 s28, v0;
	[tilespmem:s29+$0x4000] =	vst v13;
	s29 =	sor.u32 $0x70, s24  }
0x54: {  	s30 =	sadd.s32 $0x7, s26;
	v20 =	vor.u32 s28, v1;
	s23 =	sadd.s32 $0x200, s23;
	v4 =	vld.idx.msk [tilespmem:v7+s18+$0x0], $0xffff;
	[tilespmem:s29+$0x4000] =	vst v11  }
.Ltmp1:
0x55: {  	v13 =	vor.u32 s30, v0;
	v2 =	vld.idx.msk [tilespmem:v15+s18+$0x0], $0xffff;
	[tilespmem:s23+$0xE0] =	vst v14;
	(pc) =	sbr.rel @p2 .LBB2_5-.Ltmp1, $4  }
0x56: {  	v9 =	vor.u32 s25, v0;
	[tilespmem:s23+$0xFFFFFFB0] =	vst v5;
	v6 =	vld.idx.msk [tilespmem:v17+s18+$0x0], $0xffff  }
0x57: {  	v8 =	vor.u32 s25, v1;
	s25 =	smov.u32 s26;
	[tilespmem:s23+$0xFFFFFFC0] =	vst v12;
	v5 =	vld.idx.msk [tilespmem:v19+s18+$0x0], $0xffff  }
0x58: {  	s29 =	sadd.s32 $0x1, s26;
	v11 =	vor.u32 s30, v1;
	[tilespmem:s23+$0xFFFFFFD0] =	vst v16;
	v7 =	vld.idx.msk [tilespmem:v10+s18+$0x0], $0xffff  }
0x59: {  	s28 =	sadd.s32 $0x6, s25;
	s26 =	sadd.s32 $0x8, s26;
	v10 =	vor.u32 s29, v0;
	[tilespmem:s23+$0xFFFFFFE0] =	vst v18;
	v12 =	vld.idx.msk [tilespmem:v20+s18+$0x0], $0xffff  }
0x5a: {  	_ =	sdelay $0x1  }
0x5b: {  	[tilespmem:s23+$0xFFFFFFF0] =	vst v3  }
0x5c: {  	[tilespmem:s23+$0x0] =	vst v4  }
0x5d: {  	v3 =	vor.u32 s28, v1;
	v9 =	vld.idx.msk [tilespmem:v9+s18+$0x0], $0xffff;
	[tilespmem:s23+$0xD0] =	vst v2  }
0x5e: {  	v49 =	vor.u32 s29, v1;
	v8 =	vld.idx.msk [tilespmem:v8+s18+$0x0], $0xffff;
	[tilespmem:s23+$0x90] =	vst v6  }
0x5f: {  	v13 =	vld.idx.msk [tilespmem:v13+s18+$0x0], $0xffff;
	s26 =	sadd.s32 $0x2, s25;
	v53 =	vor.u32 s28, v0;
	[tilespmem:s23+$0xA0] =	vst v5  }
0x60: {  	v52 =	vld.idx.msk [tilespmem:v10+s18+$0x0], $0xffff;
	v50 =	vor.u32 s26, v0;
	[tilespmem:s23+$0xB0] =	vst v7  }
0x61: {  	v11 =	vld.idx.msk [tilespmem:v11+s18+$0x0], $0xffff;
	s30 =	sadd.s32 $0x3, s25;
	v51 =	vor.u32 s26, v1;
	[tilespmem:s23+$0xC0] =	vst v12  }
0x62: {  	s24 =	sadd.s32 $0x200, s24;
	v54 =	vor.u32 s30, v0;
	v3 =	vld.idx.msk [tilespmem:v3+s18+$0x0], $0xffff;
	[tilespmem:s23+$0xFFFFFF90] =	vst v9  }
0x63: {  	s31 =	sadd.s32 $0x4, s25;
	v2 =	vor.u32 s30, v1;
	s29 =	sor.u32 $0x60, s24;
	v4 =	vld.idx.msk [tilespmem:v49+s18+$0x0], $0xffff;
	[tilespmem:s23+$0xFFFFFFA0] =	vst v8  }
0x64: {  	v55 =	vor.u32 s31, v0;
	v56 =	vor.u32 s31, v1;
	s31 =	sadd.s32 $0x200, s23;
	[tilespmem:s29+$0x4000] =	vst v13;
	v10 =	vld.idx.msk [tilespmem:v53+s18+$0x0], $0xffff  }
0x65: {  	s30 =	sadd.s32 $0x5, s25;
	s24 =	sor.u32 $0x70, s24;
	[tilespmem:s31+$0xFFFFFFB0] =	vst v52;
	v6 =	vld.idx.msk [tilespmem:v50+s18+$0x0], $0xffff  }
0x66: {  	v57 =	vor.u32 s30, v0;
	v5 =	vld.idx.msk [tilespmem:v51+s18+$0x0], $0xffff;
	[tilespmem:s24+$0x4000] =	vst v11  }
0x67: {  	v59 =	vor.u32 s30, v1;
	v58 =	vld.idx.msk [tilespmem:v54+s18+$0x0], $0xffff;
	[tilespmem:s31+$0xE0] =	vst v3  }
0x68: {  	v2 =	vld.idx.msk [tilespmem:v2+s18+$0x0], $0xffff;
	v3 =	vor.u32 s25, v0;
	[tilespmem:s31+$0xFFFFFFC0] =	vst v4  }
0x69: {  	v61 =	vor.u32 s25, v1;
	v60 =	vld.idx.msk [tilespmem:v55+s18+$0x0], $0xffff;
	[tilespmem:s31+$0xD0] =	vst v10  }
0x6a: {  	v8 =	vld.idx.msk [tilespmem:v56+s18+$0x0], $0xffff;
	[tilespmem:s31+$0xFFFFFFD0] =	vst v6  }
0x6b: {  	v62 =	vld.idx.msk [tilespmem:v57+s18+$0x0], $0xffff;
	[tilespmem:s31+$0xFFFFFFE0] =	vst v5  }
0x6c: {  	v63 =	vld.idx.msk [tilespmem:v59+s18+$0x0], $0xffff;
	[tilespmem:s31+$0xFFFFFFF0] =	vst v58  }
0x6d: {  	[tilespmem:s31+$0x0] =	vst v2;
	v2 =	vld.idx.msk [tilespmem:v3+s18+$0x0], $0xffff  }
0x6e: {  	[tilespmem:s31+$0x90] =	vst v60;
	v3 =	vld.idx.msk [tilespmem:v61+s18+$0x0], $0xffff  }
.Ltmp2:
0x6f: {  	[tilespmem:s31+$0xA0] =	vst v8;
	(pc) =	sbr.rel .LBB2_10-.Ltmp2, $4  }
0x70: {  	[tilespmem:s31+$0xB0] =	vst v62  }
0x71: {  	[tilespmem:s31+$0xC0] =	vst v63  }
0x72: {  	[tilespmem:s31+$0xFFFFFF90] =	vst v2  }
0x73: {  	[tilespmem:s31+$0xFFFFFFA0] =	vst v3  }
.LBB2_7:
0x74: {  	s24 =	simm.s32 $0x1  }
0x75: {  	s26 =	simm.s32 $0x7;
	v2 =	vor.u32 s24, v0  }
0x76: {  	v3 =	vor.u32 s26, v1  }
0x77: {  	s30 =	simm.s32 $0x2;
	v4 =	vor.u32 s24, v1  }
0x78: {  	v5 =	vor.u32 s30, v0  }
0x79: {  	s31 =	simm.s32 $0x3;
	v6 =	vor.u32 s30, v1  }
0x7a: {  	v10 =	vor.u32 s31, v1;
	v7 =	vld.idx.msk [tilespmem:v2+s4+$0x0], $0xffff  }
0x7b: {  	v2 =	vor.u32 s31, v0;
	v8 =	vld.idx.msk [tilespmem:v3+s4+$0x0], $0xffff  }
0x7c: {  	s29 =	simm.s32 $0x4;
	v9 =	vor.u32 s26, v0;
	v11 =	vld.idx.msk [tilespmem:v4+s4+$0x0], $0xffff  }
0x7d: {  	v12 =	vld.idx.msk [tilespmem:v5+s4+$0x0], $0xffff;
	v5 =	vor.u32 s29, v0  }
0x7e: {  	s30 =	simm.s32 $0x5;
	v14 =	vld.idx.msk [tilespmem:v6+s4+$0x0], $0xffff;
	v6 =	vor.u32 s29, v1  }
0x7f: {  	v15 =	vor.u32 s30, v0;
	v4 =	vld.idx.msk [tilespmem:v10+s4+$0x0], $0xffff  }
0x80: {  	v16 =	vor.u32 s30, v1;
	s31 =	simm.s32 $0x6;
	v3 =	vld.idx.msk [tilespmem:v2+s4+$0x0], $0xffff  }
0x81: {  	v13 =	vor.u32 s31, v0;
	v2 =	vld.idx.msk [tilespmem:v9+s4+$0x0], $0xffff;
	[tilespmem:s23+$0x70] =	vst v8  }
0x82: {  	v10 =	vor.u32 s31, v1;
	[tilespmem:s23+$0xFFFFFF20] =	vst v7;
	v5 =	vld.idx.msk [tilespmem:v5+s4+$0x0], $0xffff  }
0x83: {  	v6 =	vld.idx.msk [tilespmem:v6+s4+$0x0], $0xffff;
	[tilespmem:s23+$0xFFFFFF40] =	vst v12;
	v12 =	vor.u32 s25, v0  }
0x84: {  	s28 =	simm.s32 $0x9;
	[tilespmem:s23+$0xFFFFFF30] =	vst v11;
	v7 =	vld.idx.msk [tilespmem:v15+s4+$0x0], $0xffff;
	v8 =	vor.u32 s25, v1  }
0x85: {  	s24 =	simm.s32 $0x8;
	s26 =	simm.s32 $0xF;
	v9 =	vor.u32 s28, v0;
	s25 =	simm.s32 $0x10;
	[tilespmem:s23+$0xFFFFFF50] =	vst v14;
	v11 =	vld.idx.msk [tilespmem:v16+s4+$0x0], $0xffff  }
.LBB2_8:
0x86: {  	p2 =	slt.u32 s25, $0x78;
	v14 =	vor.u32 s26, v1;
	[tilespmem:s23+$0xFFFFFF60] =	vst v3;
	v3 =	vld.idx.msk [tilespmem:v13+s4+$0x0], $0xffff  }
0x87: {  	v13 =	vor.u32 s28, v1;
	s28 =	sadd.s32 $0x2, s24;
	[tilespmem:s23+$0xFFFFFF70] =	vst v4;
	v4 =	vld.idx.msk [tilespmem:v10+s4+$0x0], $0xffff  }
0x88: {  	v10 =	vor.u32 s28, v0;
	v12 =	vld.idx.msk [tilespmem:v12+s4+$0x0], $0xffff;
	[tilespmem:s23+$0x0] =	vst v5  }
0x89: {  	v5 =	vor.u32 s28, v1;
	s28 =	sadd.s32 $0x3, s24;
	v8 =	vld.idx.msk [tilespmem:v8+s4+$0x0], $0xffff;
	[tilespmem:s23+$0x10] =	vst v6  }
0x8a: {  	v6 =	vld.idx.msk [tilespmem:v9+s4+$0x0], $0xffff;
	v9 =	vor.u32 s28, v0;
	[tilespmem:s23+$0x20] =	vst v7  }
0x8b: {  	v7 =	vor.u32 s28, v1;
	v14 =	vld.idx.msk [tilespmem:v14+s4+$0x0], $0xffff;
	[tilespmem:s23+$0x30] =	vst v11  }
0x8c: {  	v15 =	vor.u32 s26, v0;
	s28 =	sadd.s32 $0x4, s24;
	v11 =	vld.idx.msk [tilespmem:v13+s4+$0x0], $0xffff;
	[tilespmem:s23+$0x40] =	vst v3  }
0x8d: {  	v16 =	vld.idx.msk [tilespmem:v10+s4+$0x0], $0xffff;
	v10 =	vor.u32 s28, v0;
	[tilespmem:s23+$0x50] =	vst v4  }
0x8e: {  	s26 =	sadd.s32 $0x5, s24;
	v18 =	vor.u32 s28, v1;
	v17 =	vld.idx.msk [tilespmem:v5+s4+$0x0], $0xffff;
	[tilespmem:s23+$0x60] =	vst v2  }
0x8f: {  	v3 =	vld.idx.msk [tilespmem:v9+s4+$0x0], $0xffff;
	v9 =	vor.u32 s26, v0;
	[tilespmem:s23+$0xFFFFFF00] =	vst v12  }
0x90: {  	v19 =	vor.u32 s26, v1;
	s26 =	sadd.s32 $0x6, s24;
	v4 =	vld.idx.msk [tilespmem:v7+s4+$0x0], $0xffff;
	[tilespmem:s23+$0xFFFFFF10] =	vst v8;
	s23 =	sadd.s32 $0x200, s23  }
.Ltmp3:
0x91: {  	v13 =	vor.u32 s26, v0;
	v2 =	vld.idx.msk [tilespmem:v15+s4+$0x0], $0xffff;
	[tilespmem:s23+$0x70] =	vst v14;
	(pc) =	sbr.rel @p2 .LBB2_8-.Ltmp3, $4  }
0x92: {  	[tilespmem:s23+$0xFFFFFF20] =	vst v6;
	v5 =	vld.idx.msk [tilespmem:v10+s4+$0x0], $0xffff;
	v10 =	vor.u32 s26, v1  }
0x93: {  	v12 =	vor.u32 s24, v0;
	[tilespmem:s23+$0xFFFFFF30] =	vst v11;
	v6 =	vld.idx.msk [tilespmem:v18+s4+$0x0], $0xffff  }
0x94: {  	s28 =	sadd.s32 $0x1, s25;
	v8 =	vor.u32 s24, v1;
	s24 =	smov.u32 s25;
	[tilespmem:s23+$0xFFFFFF40] =	vst v16;
	v7 =	vld.idx.msk [tilespmem:v9+s4+$0x0], $0xffff  }
0x95: {  	s25 =	sadd.s32 $0x8, s25;
	s26 =	sadd.s32 $0x7, s24;
	v9 =	vor.u32 s28, v0;
	[tilespmem:s23+$0xFFFFFF50] =	vst v17;
	v11 =	vld.idx.msk [tilespmem:v19+s4+$0x0], $0xffff  }
0x96: {  	_ =	sdelay $0x1  }
0x97: {  	[tilespmem:s23+$0xFFFFFF60] =	vst v3  }
0x98: {  	[tilespmem:s23+$0xFFFFFF70] =	vst v4  }
0x99: {  	v3 =	vor.u32 s26, v1;
	v13 =	vld.idx.msk [tilespmem:v13+s4+$0x0], $0xffff;
	[tilespmem:s23+$0x60] =	vst v2  }
0x9a: {  	v43 =	vor.u32 s28, v1;
	v10 =	vld.idx.msk [tilespmem:v10+s4+$0x0], $0xffff;
	[tilespmem:s23+$0x0] =	vst v5  }
0x9b: {  	s25 =	sadd.s32 $0x2, s24;
	v12 =	vld.idx.msk [tilespmem:v12+s4+$0x0], $0xffff;
	v47 =	vor.u32 s26, v0;
	[tilespmem:s23+$0x10] =	vst v6  }
0x9c: {  	v8 =	vld.idx.msk [tilespmem:v8+s4+$0x0], $0xffff;
	v44 =	vor.u32 s25, v0;
	[tilespmem:s23+$0x20] =	vst v7  }
0x9d: {  	s31 =	sadd.s32 $0x3, s24;
	v46 =	vld.idx.msk [tilespmem:v9+s4+$0x0], $0xffff;
	v45 =	vor.u32 s25, v1;
	[tilespmem:s23+$0x30] =	vst v11  }
0x9e: {  	s28 =	sadd.s32 $0x4, s24;
	v48 =	vor.u32 s31, v0;
	v3 =	vld.idx.msk [tilespmem:v3+s4+$0x0], $0xffff;
	[tilespmem:s23+$0x40] =	vst v13  }
0x9f: {  	v50 =	vor.u32 s28, v0;
	v4 =	vld.idx.msk [tilespmem:v43+s4+$0x0], $0xffff;
	[tilespmem:s23+$0x50] =	vst v10  }
0xa0: {  	v51 =	vor.u32 s28, v1;
	[tilespmem:s23+$0xFFFFFF00] =	vst v12;
	v53 =	vld.idx.msk [tilespmem:v47+s4+$0x0], $0xffff  }
0xa1: {  	s29 =	sadd.s32 $0x5, s24;
	s30 =	sadd.s32 $0x200, s23;
	v49 =	vor.u32 s31, v1;
	[tilespmem:s23+$0xFFFFFF10] =	vst v8;
	v5 =	vld.idx.msk [tilespmem:v44+s4+$0x0], $0xffff  }
0xa2: {  	v52 =	vor.u32 s29, v0;
	[tilespmem:s30+$0xFFFFFF20] =	vst v46;
	v2 =	vld.idx.msk [tilespmem:v45+s4+$0x0], $0xffff  }
0xa3: {  	v55 =	vor.u32 s29, v1;
	s31 =	sadd.s32 $0x6, s24;
	v54 =	vld.idx.msk [tilespmem:v48+s4+$0x0], $0xffff;
	[tilespmem:s30+$0x70] =	vst v3  }
0xa4: {  	v56 =	vor.u32 s31, v0;
	v57 =	vld.idx.msk [tilespmem:v50+s4+$0x0], $0xffff;
	[tilespmem:s30+$0xFFFFFF30] =	vst v4  }
0xa5: {  	v60 =	vor.u32 s24, v0;
	v59 =	vld.idx.msk [tilespmem:v51+s4+$0x0], $0xffff;
	[tilespmem:s30+$0x60] =	vst v53  }
0xa6: {  	v58 =	vor.u32 s31, v1;
	v3 =	vld.idx.msk [tilespmem:v49+s4+$0x0], $0xffff;
	[tilespmem:s30+$0xFFFFFF40] =	vst v5  }
0xa7: {  	v61 =	vld.idx.msk [tilespmem:v52+s4+$0x0], $0xffff;
	[tilespmem:s30+$0xFFFFFF50] =	vst v2;
	v2 =	vor.u32 s24, v1  }
0xa8: {  	v11 =	vld.idx.msk [tilespmem:v55+s4+$0x0], $0xffff;
	[tilespmem:s30+$0xFFFFFF60] =	vst v54  }
0xa9: {  	v62 =	vld.idx.msk [tilespmem:v56+s4+$0x0], $0xffff;
	[tilespmem:s30+$0x0] =	vst v57  }
0xaa: {  	v63 =	vld.idx.msk [tilespmem:v60+s4+$0x0], $0xffff;
	[tilespmem:s30+$0x10] =	vst v59  }
0xab: {  	[tilespmem:s30+$0xFFFFFF70] =	vst v3;
	v3 =	vld.idx.msk [tilespmem:v58+s4+$0x0], $0xffff  }
0xac: {  	[tilespmem:s30+$0x20] =	vst v61;
	v2 =	vld.idx.msk [tilespmem:v2+s4+$0x0], $0xffff  }
0xad: {  	[tilespmem:s30+$0x30] =	vst v11  }
0xae: {  	[tilespmem:s30+$0x40] =	vst v62  }
0xaf: {  	[tilespmem:s30+$0xFFFFFF00] =	vst v63  }
0xb0: {  	[tilespmem:s30+$0x50] =	vst v3  }
0xb1: {  	[tilespmem:s30+$0xFFFFFF10] =	vst v2  }
.LBB2_10:
0xb2: {  	s23 =	simm.s32 $0x1;
	s22 =	sadd.s32 s5, s22  }
0xb3: {  	s23 =	simm.s32 @!p1 $0x0;
	s22 =	sshll.u32 s22, $0x9  }
0xb4: {  	s23 =	sshll.u32 s23, $0x7;
	s24 =	sand.u32 $0x1FFFFE00, s22  }
0xb5: {  	s22 =	sor.u32 $0x4000, s23;
	s23 =	sadd.s32 s7, s24  }
0xb6: {  	s24 =	simm.s32 $0x10;
	s26 =	sadd.s32 $0x0, s23;
	s25 =	sadd.s32 $0x100, s22  }
.LBB2_11:
0xb7: {  	[hbm4b:s26+s4] =	stream.linear.scatter [tilespmem:s22], [sflag:$0x2], $0x80, $0x38;
	[tilespmem:$0x6800] =	vst v63  }
0xb8: {  	s26 =	smov.u32 s24;
	s22 =	smov.u32 s25;
	p2 =	seq.s32 s24, $0x1F0  }
.Ltmp4:
0xb9: {  	s24 =	sadd.s32 $0x10, s24;
	(pc) =	sbr.rel @!p2 .LBB2_11-.Ltmp4, $2  }
0xba: {  	_ =	sdelay $0x2  }
0xbb: {  	s25 =	sadd.s32 $0x100, s25;
	s26 =	sadd.s32 s26, s23  }
0xbc: {  	[hbm4b:s26+s4] =	stream.linear.scatter [tilespmem:s22], [sflag:$0x2], $0x80, $0x38;
	[tilespmem:$0x6800] =	vst v63  }
0xbd: {  	p2 =	seq.s32 s21, s9  }
.Ltmp5:
0xbe: {  	_ = 	snop;
	(pc) =	sbr.rel @!p2 .LBB2_3-.Ltmp5, $2  }
0xbf: {  	_ =	sdelay $0x2  }
0xc0: {  	p1 =	por !p1, !p1;
	s22 =	smov.u32 s21  }
0xc1: {  	_ =	swait.ge [sflag:s19], $0x1000  }
0xc2: {  	[sflag:s19] =	ssyncset.done $0x0  }
0xc3: {  	[sflag:s19] =	ssyncadd.s32 $0xFFFFF000  }
0xc4: {  	_ =	swait.ge [sflag:s19], $0x1000  }
0xc5: {  	s21 =	simm.s32 @!p0 $0x0;
	[sflag:s19] =	ssyncset.done $0x0  }
0xc6: {  	s22 =	simm.s32 @!p0 $0x6000;
	s23 =	simm.s32 @!p0 $0x3;
	[sflag:s19] =	ssyncadd.s32 $0xFFFFF000  }
0xc7: {  	[tilespmem:s22], [sflag:$0x3] =	stream.linear.gather @!p0 [hbm4b:s2+s21], $0x800, $0x38;
	[tilespmem:$0x6800] =	vst v63  }
0xc8: {  	s20 =	sadd.s32 $0x1, s20;
	_ =	swait.ge @!p0 [sflag:s23], $0x800  }
0xc9: {  	p1 =	sne.s32 s20, s13;
	[sflag:s23] =	ssyncset.done @!p0 $0x0  }
.Ltmp6:
0xca: {  	[sflag:s23] =	ssyncadd.s32 @!p0 $0xFFFFF800;
	(pc) =	sbr.rel @p1 .LBB2_1-.Ltmp6, $4  }
0xcb: {  	[hbm4b:s12+s21] =	stream.linear.scatter @!p0 [tilespmem:s22], [sflag:$0x3], $0x800, $0x38;
	[tilespmem:$0x6800] =	vst v63  }
0xcc: {  	_ =	swait.ge @!p0 [sflag:s23], $0x800  }
0xcd: {  	[sflag:s23] =	ssyncset.done @!p0 $0x0  }
0xce: {  	[sflag:s23] =	ssyncadd.s32 @!p0 $0xFFFFF800  }
0xcf: {  	_ =	sfence.sel $0x180000  }
0xd0: {  	[bflag:$0x0] =	sbarrier.arrive $0xFFFF  }
0xd1: {  	p0 =	sne.s32 s0, $0x0;
	_ =	strace $0x90000047  }
0xd2: {  	s0 =	sadd.s32 @!p0 $0x100000, s3;
	[bflag:$0x2] =	sbarrier.arrive $0xFFFF  }
0xd3: {  	[sflag:s0] =	ssyncadd.tile.s32 @!p0 $0x1;
	_ =	shalt  }
.Lfunc_end2:
_tile_overlayer_lowered:
.L_overlay_start_2:
0xd4: {  	(tag) =	ssettag $0x2  }
0xd5: {  	s0 =	rddreg [dreg:$0x0];
	s2 =	stileid.u32  }
0xd6: {  	s1 =	rddreg [dreg:$0x1];
	p0 =	sne.s32 s2, $0x0  }
0xd7: {  	s3 =	rddreg [dreg:$0x2];
	[bflag:$0x3] =	sbarrier.arrive $0xFFFF;
	s2 =	simm.s32 @!p0 $0x1C03  }
0xd8: {  	[timem:s3], [sflag:s2] =	dma.local @!p0 [hbm:s0], s1  }
0xd9: {  	s0 =	simm.s32 @!p0 $0x3  }
0xda: {  	_ =	swait.ge @!p0 [sflag:s0], s1  }
0xdb: {  	s1 =	ssub.s32 @!p0 $0x0, s1;
	[sflag:s0] =	ssyncset.done @!p0 $0x0  }
0xdc: {  	[sflag:s0] =	ssyncadd.s32 @!p0 s1  }
0xdd: {  	[bflag:$0x3] =	sbarrier.arrive $0xFFFF  }
0xde: {  	_ =	shalt  }

// kernel: _sc_embed.7.cloned.1.call-start
scs
__scs_entry_jumppad:
0x0: {  	(pc) =	sbr.rel $0x88, $3  }
0x1: {  	(tag) =	ssettag $0x0;
	lr =	simm.s32 $0x1  }
0x2: {  	[smem:$0x3F9E] =	sst lr;
	_ =	strace $0xD0000000  }
0x3: {  	_ = 	snop  }
0x4: {  	_ = 	snop  }
0x5: {  	_ = 	snop  }
0x6: {  	_ = 	snop  }
0x7: {  	_ = 	snop  }
__scs_overlays_trampoline_lowered:
0x8: {  	[smem:$0x3FAD] =	sst s0  }
0x9: {  	[smem:$0x3FAE] =	sst s1  }
0xa: {  	[smem:$0x3FAF] =	sst s2  }
0xb: {  	[smem:$0x3FB0] =	sst s3  }
0xc: {  	[smem:$0x3FB1] =	sst s4  }
0xd: {  	[smem:$0x3FB2] =	sst s5  }
0xe: {  	[smem:$0x3FB3] =	sst s6  }
0xf: {  	[smem:$0x3FB4] =	sst s7  }
0x10: {  	[smem:$0x3FB5] =	sst s8  }
0x11: {  	[smem:$0x3FB6] =	sst s9;
	s0 =	simm.s32 @!p0 $0x0  }
0x12: {  	s1 =	sld [smem:$0x3F9C];
	s0 =	simm.s32 @p0 $0x1  }
0x13: {  	[smem:$0x3FB7] =	sst s0;
	s0 =	simm.s32 @!p1 $0x0  }
0x14: {  	s2 =	sld [smem:$0x3F9B];
	s0 =	simm.s32 @p1 $0x1  }
0x15: {  	[smem:$0x3FB8] =	sst s0;
	s0 =	simm.s32 @!p2 $0x0  }
0x16: {  	s3 =	sld [smem:$0x3FDB];
	s0 =	simm.s32 @p2 $0x1  }
0x17: {  	s4 =	simm.s32 $0x1BF5;
	[smem:$0x3FBA] =	sst s0  }
0x18: {  	s0 =	sld [smem:$0x3F9D];
	_ =	swait.ge [sflag:s4], $0x0  }
0x19: {  	s7 =	sld [smem:$0x3F9E]  }
0x1a: {  	s8 =	sadd.s32 $0xFFFFE003, lr  }
0x1b: {  	s9 =	sadd.s32 $0xFFFFFEF7, lr;
	s5 =	simm.s32 $0xFFFFFFFF;
	p2 =	slt.u32 s8, $0xFFFFF086  }
0x1c: {  	p1 =	slt.u32 s9, $0xF7A;
	s5 =	simm.s32 @!p2 $0x0  }
0x1d: {  	s5 =	simm.s32 @p1 $0x1;
	p0 =	seq.s32 s7, s2  }
0x1e: {  	s7 =	smul.u32 @!p0 $0xF7A, s2;
	p2 =	seq.s32 @!p0 s5, $0x0  }
0x1f: {  	s9 =	smul.u32 $0xF7A, s1;
	s8 =	simm.s32 @!p0 $0x1BF5;
	p2 =	por !p2, p0  }
0x20: {  	[sflag:s8] =	ssyncset.s32 @!p0 $0xFFFFF086;
	s6 =	sadd.s32 @!p0 s3, s7;
	s7 =	simm.s32 @!p0 $0x108  }
0x21: {  	s3 =	sadd.s32 s3, s9;
	s6 =	sadd.s32 @!p0 $0x88, s6;
	s7 =	simm.s32 @p2 $0x1082  }
0x22: {  	[simem:s7], [sflag:s8] =	dma.local @!p0 [hbm:s6], $0xF7A  }
0x23: {  	s9 =	sor.u32 $0xD0000000, s2;
	s6 =	simm.s32 $0x108;
	_ =	swait.ge @!p0 [sflag:s8], $0x0  }
0x24: {  	s3 =	sadd.s32 $0x88, s3;
	s6 =	simm.s32 @!p1 $0x1082;
	[sflag:s4] =	ssyncset.s32 $0xFFFFF086  }
0x25: {  	[simem:s6], [sflag:s4] =	dma.local [hbm:s3], $0xF7A  }
0x26: {  	[smem:$0x3F9E] =	sst s1;
	(tag) =	ssettag s2;
	_ =	strace s9  }
0x27: {  	s1 =	sld [smem:$0x3FAE]  }
0x28: {  	s2 =	sld [smem:$0x3FAF]  }
0x29: {  	s4 =	sld [smem:$0x3FB1]  }
0x2a: {  	p0 =	seq.s32 s5, $0x0;
	s5 =	sld [smem:$0x3FB2]  }
0x2b: {  	s6 =	sld [smem:$0x3FB3]  }
0x2c: {  	s7 =	sld [smem:$0x3FB4]  }
0x2d: {  	s3 =	simm.s32 $0x108;
	s8 =	sld [smem:$0x3FB5]  }
0x2e: {  	s3 =	simm.s32 @!p0 $0x1082;
	s9 =	sld [smem:$0x3FB6]  }
0x2f: {  	lr =	sadd.s32 s0, s3;
	s0 =	sld [smem:$0x3FAD]  }
0x30: {  	s3 =	sld [smem:$0x3FB0]  }
0x31: {  	[smem:$0x3FB9] =	sst s10  }
0x32: {  	s10 =	sld [smem:$0x3FB7];
	_ =	sdelay $0x3  }
0x33: {  	p0 =	seq.s32 s10, $0x1;
	s10 =	sld [smem:$0x3FB9];
	_ =	sdelay $0x3  }
0x34: {  	[smem:$0x3FB9] =	sst s10  }
0x35: {  	s10 =	sld [smem:$0x3FB8];
	_ =	sdelay $0x3  }
0x36: {  	p1 =	seq.s32 s10, $0x1;
	s10 =	sld [smem:$0x3FB9];
	_ =	sdelay $0x3  }
0x37: {  	[smem:$0x3FB9] =	sst s10  }
0x38: {  	s10 =	sld [smem:$0x3FBA]  }
0x39: {  	_ = 	snop;
	(pc) =	sbr.ind lr, $3  }
0x3a: {  	_ = 	snop  }
0x3b: {  	_ = 	snop  }
0x3c: {  	p2 =	seq.s32 s10, $0x1;
	s10 =	sld [smem:$0x3FB9]  }
0x3d: {  	_ =	shalt  }
0x3e: {  	_ =	shalt  }
0x3f: {  	_ =	shalt  }
0x40: {  	_ =	shalt  }
0x41: {  	_ =	shalt  }
0x42: {  	_ =	shalt  }
0x43: {  	_ =	shalt  }
0x44: {  	_ =	shalt  }
0x45: {  	_ =	shalt  }
0x46: {  	_ =	shalt  }
0x47: {  	_ =	shalt  }
0x48: {  	_ =	shalt  }
0x49: {  	_ =	shalt  }
0x4a: {  	_ =	shalt  }
0x4b: {  	_ =	shalt  }
0x4c: {  	_ =	shalt  }
0x4d: {  	_ =	shalt  }
0x4e: {  	_ =	shalt  }
0x4f: {  	_ =	shalt  }
0x50: {  	_ =	shalt  }
0x51: {  	_ =	shalt  }
0x52: {  	_ =	shalt  }
0x53: {  	_ =	shalt  }
0x54: {  	_ =	shalt  }
0x55: {  	_ =	shalt  }
0x56: {  	_ =	shalt  }
0x57: {  	_ =	shalt  }
0x58: {  	_ =	shalt  }
0x59: {  	_ =	shalt  }
0x5a: {  	_ =	shalt  }
0x5b: {  	_ =	shalt  }
0x5c: {  	_ =	shalt  }
0x5d: {  	_ =	shalt  }
0x5e: {  	_ =	shalt  }
0x5f: {  	_ =	shalt  }
0x60: {  	_ =	shalt  }
0x61: {  	_ =	shalt  }
0x62: {  	_ =	shalt  }
0x63: {  	_ =	shalt  }
0x64: {  	_ =	shalt  }
0x65: {  	_ =	shalt  }
0x66: {  	_ =	shalt  }
0x67: {  	_ =	shalt  }
0x68: {  	_ =	shalt  }
0x69: {  	_ =	shalt  }
0x6a: {  	_ =	shalt  }
0x6b: {  	_ =	shalt  }
0x6c: {  	_ =	shalt  }
0x6d: {  	_ =	shalt  }
0x6e: {  	_ =	shalt  }
0x6f: {  	_ =	shalt  }
0x70: {  	_ =	shalt  }
0x71: {  	_ =	shalt  }
0x72: {  	_ =	shalt  }
0x73: {  	_ =	shalt  }
0x74: {  	_ =	shalt  }
0x75: {  	_ =	shalt  }
0x76: {  	_ =	shalt  }
0x77: {  	_ =	shalt  }
0x78: {  	_ =	shalt  }
0x79: {  	_ =	shalt  }
0x7a: {  	_ =	shalt  }
0x7b: {  	_ =	shalt  }
0x7c: {  	_ =	shalt  }
0x7d: {  	_ =	shalt  }
0x7e: {  	_ =	shalt  }
0x7f: {  	_ =	shalt  }
0x80: {  	_ =	shalt  }
0x81: {  	_ =	shalt  }
0x82: {  	_ =	shalt  }
0x83: {  	_ =	shalt  }
0x84: {  	_ =	shalt  }
0x85: {  	_ =	shalt  }
0x86: {  	_ =	shalt  }
0x87: {  	_ =	shalt  }
.Lfunc_end0:
.L_simem_size_0:
called_computation.1_lowered:
.L_overlay_start_0:
0x88: {  	s2 =	sld [smem:$0x3FD9]  }
0x89: {  	s3 =	sld [smem:$0x3FFE];
	_ =	sdelay $0x1  }
0x8a: {  	s1 =	srdreg.scid  }
0x8b: {  	s0 =	sand.u32 $0x1, s1  }
0x8c: {  	s17 =	sshll.u32 s0, $0xA;
	s2 =	sadd.s32 s3, s2  }
0x8d: {  	s2 =	sadd.s32 s2, s17  }
0x8e: {  	[smem:$0x3FC5] =	sst s2  }
0x8f: {  	_ = 	snop  }
0x90: {  	s2 =	sld [smem:$0x3FD0];
	(tm) =	ssettm $0x1  }
0x91: {  	s18 =	sld [smem:$0x3FFB];
	_ =	sdelay $0x3  }
0x92: {  	_ =	strace s18  }
0x93: {  	s3 =	sld [smem:$0x3FFC];
	_ =	sdelay $0x3  }
0x94: {  	_ =	strace s3  }
0x95: {  	s3 =	sld [smem:$0x3FFD];
	_ =	sdelay $0x3  }
0x96: {  	_ =	strace s3  }
0x97: {  	_ =	strace $0x8FFFFFFF  }
0x98: {  	s19 =	sld [smem:$0x3FDB];
	_ =	sdelay $0x1  }
0x99: {  	s4 =	simm.s32 $_scs_section_size  }
0x9a: {  	s5 =	simm.s32 $_size__tile_overlayer_lowered;
	s6 =	simm.s32 $_tile_overlayer_lowered  }
0x9b: {  	s22 =	simm.s32 $0x1BFF;
	s21 =	sshll.u32 s6, $0x1;
	s3 =	sadd.s32 s4, s19  }
0x9c: {  	s7 =	simm.s32 $0x0;
	s20 =	sshll.u32 s5, $0x1;
	s5 =	sadd.s32 s21, s3  }
0x9d: {  	[timem:s7], [sflag:s22] =	dma.local [hbm:s5], s20  }
0x9e: {  	_ =	swait.ge [sflag:s22], s20  }
0x9f: {  	s4 =	ssub.s32 $0x0, s20;
	[sflag:s22] =	ssyncset.done $0x0  }
0xa0: {  	[sflag:s22] =	ssyncadd.s32 s4;
	_ =	sdelay $0x1  }
0xa1: {  	s23 =	simm.s32 $0x1B8B  }
0xa2: {  	_ =	swait.ge [sflag:s23], $0x1  }
0xa3: {  	[sflag:s23] =	ssyncset.done $0x0  }
0xa4: {  	s25 =	simm.s32 $0x1B8E;
	s24 =	sld [smem:$0x3FFE];
	[sflag:s23] =	ssyncadd.s32 $0xFFFFFFFF  }
0xa5: {  	s26 =	simm.s32 $execute0_lowered;
	[smem:$0x3FD2] =	sst s25  }
0xa6: {  	s5 =	sshll.u32 s26, $0x1;
	_ =	strace $0x80000049;
	[dreg:$0x1] =	wrdreg $0xFFFFFFFF  }
0xa7: {  	s28 =	simm.s32 $_size_execute0_lowered;
	s3 =	sadd.s32 s3, s5;
	[dreg:$0x0] =	wrdreg $0x0  }
0xa8: {  	s5 =	sshll.u32 s28, $0x1;
	[dreg:$0x2] =	wrdreg s3  }
0xa9: {  	[dreg:$0x3] =	wrdreg s5  }
0xaa: {  	[dreg:$0x4] =	wrdreg $0xC0  }
0xab: {  	_ =	task [dreg:s7], $0x5FFFF  }
0xac: {  	[dreg:$0x1] =	wrdreg $0xFFFFFFFF  }
0xad: {  	[dreg:$0x0] =	wrdreg $0x60  }
0xae: {  	[dreg:$0x2] =	wrdreg s24  }
0xaf: {  	[dreg:$0x3] =	wrdreg s2  }
0xb0: {  	[dreg:$0x4] =	wrdreg $0x9  }
0xb1: {  	_ =	task.clear_ibuf [dreg:s7], $0x5FFFF;
	_ =	strace $0x90000049  }
0xb2: {  	s29 =	simm.s32 $0x9;
	_ =	strace $0x8000004B  }
0xb3: {  	_ =	swait.ge [sflag:s29], $0x1  }
0xb4: {  	[sflag:s29] =	ssyncadd.s32 $0xFFFFFFFF  }
0xb5: {  	_ =	strace $0x9000004B  }
0xb6: {  	_ =	sfence  }
0xb7: {  	s30 =	sld [smem:$0x0];
	_ =	sdelay $0x2  }
0xb8: {  	s31 =	sshll.u32 s1, $0xD;
	s1 =	sshrl.u32 s1, $0x2  }
0xb9: {  	s3 =	sand.u32 $0x4000, s31;
	s1 =	sadd.s32 s1, s30  }
0xba: {  	s0 =	sor.u32 s3, s0;
	s1 =	sshll.u32 s1, $0x11  }
0xbb: {  	s0 =	sor.u32 s1, s0  }
0xbc: {  	s0 =	sadd.s32 $0x8F2B, s0  }
0xbd: {  	[sflag:s0] =	ssyncadd.remote.s32 $0x1  }
0xbe: {  	_ =	sfence.sel $0xFFFF  }
0xbf: {  	[dreg:$0x0] =	wrdreg $0xFFFFFFFF;
	(pc) =	sbr.abs _section_cstart, $3  }
0xc0: {  	[dreg:$0x1] =	wrdreg $0xFFFFFFFF  }
0xc1: {  	_ =	task.clear_ibuf [dreg:s7], $0x2FFFF;
	_ =	strace $0x9FFFFFFF  }
0xc2: {  	(tm) =	ssettm $0x7FFFFFFF  }
0xc3: {  	_ =	shalt  }
tec
execute0_lowered:
.L_overlay_start_1:
0x0: {  	(tag) =	ssettag $0x1  }
0x1: {  	s1 =	rddreg [dreg:$0x0]  }
0x2: {  	s3 =	srdreg.scid;
	s0 =	stileid.u32  }
0x3: {  	s2 =	rddreg [dreg:$0x1];
	s10 =	simm.s32 $0x1900;
	s11 =	simm.s32 $0x3200  }
0x4: {  	s12 =	simm.s32 $0x80;
	s13 =	simm.s32 $0x4B00;
	s14 =	simm.s32 $0x5B00  }
0x5: {  	s15 =	simm.s32 $0x100;
	s16 =	simm.s32 $0x6B00;
	s17 =	simm.s32 $0x180  }
0x6: {  	s18 =	simm.s32 $0x7B00;
	s19 =	simm.s32 $0x1;
	s20 =	simm.s32 $0x2  }
0x7: {  	s4 =	sand.u32 $0x1, s3;
	s5 =	sshll.u32 s0, $0x1;
	s3 =	simm.s32 $0x0  }
0x8: {  	s21 =	simm.s32 $0x0;
	s6 =	sor.u32 s4, s5;
	[smem:$0x7FF] =	sst s3  }
0x9: {  	s7 =	ssub.s32 $0x2, s4;
	s4 =	sadd.s32 $0xC00, s1;
	s5 =	smul.u32 $0x320, s6  }
0xa: {  	_ =	strace $0x8000004A;
	s9 =	sshrl.u32 s7, $0x1;
	s6 =	smul.u32 $0x1900, s6  }
0xb: {  	s31 =	ssub.s32 s7, s9;
	s9 =	simm.s32 $0x3;
	s8 =	sadd.s32 s5, s1  }
0xc: {  	s5 =	sadd.s32 $0x3D1600, s1;
	s7 =	sadd.s32 $0x3D1A00, s8;
	s8 =	smax.u32 s31, $0x1  }
.LBB2_1:
0xd: {  	[tilespmem:s3], [sflag:$0x3] =	stream.linear.gather [hbm4b:s7+s3], $0x1900, $0x38;
	[tilespmem:$0xAB00] =	vst v63  }
0xe: {  	_ =	swait.ge [sflag:s9], $0x1900  }
0xf: {  	[sflag:s9] =	ssyncset.done $0x0  }
0x10: {  	[sflag:s9] =	ssyncadd.s32 $0xFFFFE700  }
0x11: {  	[tilespmem:s10], [sflag:$0x3] =	stream.linear.gather [hbm4b:s5+s3], $0x1900, $0x38;
	[tilespmem:$0xAB00] =	vst v63  }
0x12: {  	_ =	swait.ge [sflag:s9], $0x1900  }
0x13: {  	[sflag:s9] =	ssyncset.done $0x0  }
0x14: {  	[sflag:s9] =	ssyncadd.s32 $0xFFFFE700  }
0x15: {  	[tilespmem:s11], [sflag:$0x3] =	stream.linear.gather [hbm4b:s5+s3], $0x1900, $0x38;
	[tilespmem:$0xAB00] =	vst v63  }
0x16: {  	_ =	swait.ge [sflag:s9], $0x1900  }
0x17: {  	[sflag:s9] =	ssyncset.done $0x0  }
0x18: {  	[sflag:s9] =	ssyncadd.s32 $0xFFFFE700  }
0x19: {  	[tilespmem:s13], [sflag:$0x1] =	stream.indirect.gather [hbm4b:s4+s12], $0x20, s3, s12, $0xb8;
	[tilespmem:$0xAB00] =	vst v63  }
0x1a: {  	_ = 	snop  }
0x1b: {  	[tilespmem:s14], [sflag:$0x1] =	stream.indirect.gather [hbm4b:s4+s12], $0x20, s12, s12, $0xb8;
	[tilespmem:$0xAB00] =	vst v63  }
0x1c: {  	_ = 	snop  }
0x1d: {  	[tilespmem:s16], [sflag:$0x1] =	stream.indirect.gather [hbm4b:s4+s12], $0x20, s15, s12, $0xb8;
	[tilespmem:$0xAB00] =	vst v63  }
0x1e: {  	s22 =	simm.s32 $0x0;
	s23 =	simm.s32 $0x0;
	s24 =	simm.s32 $0x0  }
0x1f: {  	[tilespmem:s18], [sflag:$0x1] =	stream.indirect.gather [hbm4b:s4+s12], $0x20, s17, s12, $0xb8;
	[tilespmem:$0xAB00] =	vst v63  }
.LBB2_2:
0x20: {  	s1 =	smulhi.u32 $0x51EB851F, s22;
	_ =	sdelay $0x1  }
0x21: {  	s1 =	sshrl.u32 s1, $0x6  }
0x22: {  	s1 =	smul.u32 $0xFFFF9C00, s1;
	_ =	sdelay $0x1  }
0x23: {  	s1 =	sshra.s32 s1, $0x2  }
0x24: {  	s1 =	sadd.s32 $0x1900, s1  }
0x25: {  	v0 =	vmov s1;
	_ =	sdelay $0x1  }
0x26: {  	s26 =	smulhi.u32 $0xAAAAAAAB, s24;
	_ =	swait.ge [sflag:s19], $0x1000  }
0x27: {  	[sflag:s19] =	ssyncset.done $0x0  }
0x28: {  	s31 =	sshra.s32 s23, $0x2;
	[sflag:s19] =	ssyncadd.s32 $0xFFFFF000;
	s1 =	sshrl.u32 s26, $0x2  }
0x29: {  	s1 =	smul.u32 $0xFFFE8000, s1;
	v1 =	vld.idx.msk [tilespmem:v0+s31+$0x0 ss:$0x1], $0xffff;
	_ =	sdelay $0x1  }
0x2a: {  	s1 =	sshra.s32 s1, $0x2  }
0x2b: {  	s25 =	sadd.s32 $0x4B00, s1  }
0x2c: {  	s26 =	sadd.s32 s31, s25  }
0x2d: {  	[tilespmem:s26+$0x0] =	vst.add.f32.msk $0xffff, v1  }
0x2e: {  	v1 =	vld.idx.msk [tilespmem:v0+s31+$0x10 ss:$0x1], $0xffff;
	_ =	sdelay $0x4  }
0x2f: {  	[tilespmem:s26+$0x10] =	vst.add.f32.msk $0xffff, v1  }
0x30: {  	v1 =	vld.idx.msk [tilespmem:v0+s31+$0x20 ss:$0x1], $0xffff;
	_ =	sdelay $0x4  }
0x31: {  	[tilespmem:s26+$0x20] =	vst.add.f32.msk $0xffff, v1  }
0x32: {  	v1 =	vld.idx.msk [tilespmem:v0+s31+$0x30 ss:$0x1], $0xffff;
	_ =	sdelay $0x4  }
0x33: {  	[tilespmem:s26+$0x30] =	vst.add.f32.msk $0xffff, v1  }
0x34: {  	v1 =	vld.idx.msk [tilespmem:v0+s31+$0x40 ss:$0x1], $0xffff;
	_ =	sdelay $0x4  }
0x35: {  	[tilespmem:s26+$0x40] =	vst.add.f32.msk $0xffff, v1  }
0x36: {  	v1 =	vld.idx.msk [tilespmem:v0+s31+$0x50 ss:$0x1], $0xffff;
	_ =	sdelay $0x4  }
0x37: {  	[tilespmem:s26+$0x50] =	vst.add.f32.msk $0xffff, v1  }
0x38: {  	v1 =	vld.idx.msk [tilespmem:v0+s31+$0x60 ss:$0x1], $0xffff  }
0x39: {  	s1 =	smul.u32 $0xAB, s24;
	_ =	sdelay $0x1  }
0x3a: {  	s1 =	sshrl.u32 s1, $0xA  }
0x3b: {  	s1 =	sand.u32 $0x3F, s1  }
0x3c: {  	s1 =	smul.u32 $0x6, s1;
	[tilespmem:s26+$0x60] =	vst.add.f32.msk $0xffff, v1  }
0x3d: {  	v1 =	vld.idx.msk [tilespmem:v0+s31+$0x70 ss:$0x1], $0xffff  }
0x3e: {  	s1 =	ssub.s32 s24, s1  }
0x3f: {  	s1 =	sand.u32 $0xFF, s1  }
0x40: {  	s29 =	sshll.u32 s24, $0x7;
	s1 =	sshll.u32 s1, $0xC  }
0x41: {  	s30 =	simm.s32 $0x0;
	s28 =	sadd.s32 $0x4B00, s1;
	s31 =	sadd.s32 $0x200, s23  }
.LBB2_3:
0x42: {  	s1 =	sshra.s32 s31, $0x2;
	s30 =	sadd.s32 $0x4, s30;
	[tilespmem:s26+$0x70] =	vst.add.f32.msk $0xffff, v1  }
0x43: {  	v1 =	vld.idx.msk [tilespmem:v0+s1+$0x0 ss:$0x1], $0xffff;
	p0 =	slt.u32 s30, $0x7C;
	_ =	sdelay $0x4  }
0x44: {  	s26 =	sadd.s32 s1, s25  }
0x45: {  	[tilespmem:s26+$0x0] =	vst.add.f32.msk $0xffff, v1  }
0x46: {  	v1 =	vld.idx.msk [tilespmem:v0+s1+$0x10 ss:$0x1], $0xffff;
	_ =	sdelay $0x5  }
0x47: {  	[tilespmem:s26+$0x10] =	vst.add.f32.msk $0xffff, v1  }
0x48: {  	v1 =	vld.idx.msk [tilespmem:v0+s1+$0x20 ss:$0x1], $0xffff;
	_ =	sdelay $0x5  }
0x49: {  	[tilespmem:s26+$0x20] =	vst.add.f32.msk $0xffff, v1  }
0x4a: {  	v1 =	vld.idx.msk [tilespmem:v0+s1+$0x30 ss:$0x1], $0xffff;
	_ =	sdelay $0x5  }
0x4b: {  	[tilespmem:s26+$0x30] =	vst.add.f32.msk $0xffff, v1  }
0x4c: {  	v1 =	vld.idx.msk [tilespmem:v0+s1+$0x40 ss:$0x1], $0xffff;
	_ =	sdelay $0x5  }
0x4d: {  	[tilespmem:s26+$0x40] =	vst.add.f32.msk $0xffff, v1  }
0x4e: {  	v1 =	vld.idx.msk [tilespmem:v0+s1+$0x50 ss:$0x1], $0xffff;
	_ =	sdelay $0x5  }
0x4f: {  	[tilespmem:s26+$0x50] =	vst.add.f32.msk $0xffff, v1  }
0x50: {  	v1 =	vld.idx.msk [tilespmem:v0+s1+$0x60 ss:$0x1], $0xffff;
	_ =	sdelay $0x5  }
0x51: {  	[tilespmem:s26+$0x60] =	vst.add.f32.msk $0xffff, v1  }
0x52: {  	v1 =	vld.idx.msk [tilespmem:v0+s1+$0x70 ss:$0x1], $0xffff  }
.Ltmp0:
0x53: {  	(pc) =	sbr.rel @p0 .LBB2_3-.Ltmp0, $2  }
0x54: {  	_ =	sdelay $0x2  }
0x55: {  	s31 =	sadd.s32 $0x200, s31  }
0x56: {  	s1 =	sadd.s32 s6, s29  }
0x57: {  	s1 =	sshll.u32 s1, $0x2  }
0x58: {  	[tilespmem:s26+$0x70] =	vst.add.f32.msk $0xffff, v1;
	p0 =	slt.u32 s24, $0x2;
	s1 =	sadd.s32 s2, s1  }
0x59: {  	[hbm4b:s1+s3] =	stream.linear.scatter [tilespmem:s28], [sflag:$0x2], $0x1000, $0x38;
	[tilespmem:$0xAB00] =	vst v63  }
0x5a: {  	s1 =	simm.s32 @!p0 $0x2  }
0x5b: {  	p1 =	sgt.u32 @!p0 s24, $0x2D;
	_ =	swait.ge @!p0 [sflag:s1], $0x1000  }
0x5c: {  	p1 =	por p0, !p1;
	[sflag:s1] =	ssyncset.done @!p0 $0x0  }
0x5d: {  	[sflag:s1] =	ssyncadd.s32 @!p0 $0xFFFFF000;
	s1 =	sadd.s32 @p1 $0x4, s24  }
0x5e: {  	s25 =	smul.u32 @p1 $0xAB, s1;
	_ =	sdelay $0x1  }
0x5f: {  	s25 =	sshrl.u32 @p1 s25, $0xA  }
0x60: {  	s25 =	sand.u32 @p1 $0x3F, s25  }
0x61: {  	s24 =	sadd.s32 $0x1, s24;
	s25 =	smul.u32 @p1 $0x6, s25  }
0x62: {  	p0 =	sne.s32 s24, $0x32  }
.Ltmp1:
0x63: {  	s25 =	ssub.s32 @p1 s1, s25;
	(pc) =	sbr.rel @p0 .LBB2_2-.Ltmp1, $4  }
0x64: {  	s25 =	sand.u32 @p1 $0xFF, s25  }
0x65: {  	s23 =	sadd.s32 $0x4000, s23;
	s1 =	sshll.u32 @p1 s1, $0x7;
	s25 =	sshll.u32 @p1 s25, $0xC  }
0x66: {  	s22 =	sadd.s32 $0x80, s22;
	s1 =	sand.u32 @p1 $0x3FFFFF80, s1;
	s25 =	sadd.s32 @p1 $0x4B00, s25  }
0x67: {  	[tilespmem:s25], [sflag:$0x1] =	stream.indirect.gather @p1 [hbm4b:s4+s12], $0x20, s1, s12, $0xb8;
	[tilespmem:$0xAB00] =	vst v63  }
0x68: {  	s21 =	sadd.s32 $0x1, s21  }
0x69: {  	_ =	swait.ge [sflag:s20], $0x1000;
	p0 =	sne.s32 s21, s8  }
.Ltmp2:
0x6a: {  	[sflag:s20] =	ssyncset.done $0x0;
	(pc) =	sbr.rel @p0 .LBB2_1-.Ltmp2, $4  }
0x6b: {  	[sflag:s20] =	ssyncadd.s32 $0xFFFFF000  }
0x6c: {  	_ =	swait.ge [sflag:s20], $0x1000  }
0x6d: {  	[sflag:s20] =	ssyncset.done $0x0  }
0x6e: {  	[sflag:s20] =	ssyncadd.s32 $0xFFFFF000  }
0x6f: {  	_ =	sfence.sel $0x180000  }
0x70: {  	[bflag:$0x0] =	sbarrier.arrive $0xFFFF  }
0x71: {  	_ =	strace $0x9000004A  }
0x72: {  	[bflag:$0x2] =	sbarrier.arrive $0xFFFF  }
0x73: {  	p0 =	sne.s32 s0, $0x0;
	s0 =	rddreg [dreg:$0x2]  }
0x74: {  	s0 =	sadd.s32 @!p0 $0x100000, s0  }
0x75: {  	[sflag:s0] =	ssyncadd.tile.s32 @!p0 $0x1;
	_ =	shalt  }
.Lfunc_end2:
_tile_overlayer_lowered:
.L_overlay_start_2:
0x76: {  	(tag) =	ssettag $0x2  }
0x77: {  	s0 =	rddreg [dreg:$0x0];
	s2 =	stileid.u32  }
0x78: {  	s1 =	rddreg [dreg:$0x1];
	p0 =	sne.s32 s2, $0x0  }
0x79: {  	s3 =	rddreg [dreg:$0x2];
	[bflag:$0x3] =	sbarrier.arrive $0xFFFF;
	s2 =	simm.s32 @!p0 $0x1C03  }
0x7a: {  	[timem:s3], [sflag:s2] =	dma.local @!p0 [hbm:s0], s1  }
0x7b: {  	s0 =	simm.s32 @!p0 $0x3  }
0x7c: {  	_ =	swait.ge @!p0 [sflag:s0], s1  }
0x7d: {  	s1 =	ssub.s32 @!p0 $0x0, s1;
	[sflag:s0] =	ssyncset.done @!p0 $0x0  }
0x7e: {  	[sflag:s0] =	ssyncadd.s32 @!p0 s1  }
0x7f: {  	[bflag:$0x3] =	sbarrier.arrive $0xFFFF  }
0x80: {  	_ =	shalt  }

</sc_bundles>
